<compile_context>
chip_gen: v7x
topology: tpu7x:2x2x1
jax: 0.10.2.dev20260603
libtpu: 0.0.44.dev20260713+nightly
codegen_flags: <defaults>
</compile_context>

<pallas_src>
import functools

import jax
import jax.numpy as jnp
from jax import lax
from jax.experimental import pallas as pl
from jax.experimental.pallas import tpu as pltpu
from jax.experimental.pallas import tpu_sc as plsc


def _table_body(wt_ref, w1_ref, b1_ref, out_ref):
    e = jnp.maximum(wt_ref[...], 0.0)
    s = jnp.dot(w1_ref[...], e, preferred_element_type=jnp.float32)
    out_ref[...] = jnp.maximum(s[0] + b1_ref[0], 0.0)


def _build_table(w_emb_t, w1, b1):
    v = w_emb_t.shape[1]
    return pl.pallas_call(
        _table_body,
        out_shape=jax.ShapeDtypeStruct((v,), jnp.float32),
        in_specs=[
            pl.BlockSpec(memory_space=pltpu.VMEM),
            pl.BlockSpec(memory_space=pltpu.VMEM),
            pl.BlockSpec(memory_space=pltpu.SMEM),
        ],
        out_specs=pl.BlockSpec(memory_space=pltpu.VMEM),
    )(w_emb_t, w1, b1)


_SC_INFO = plsc.get_sparse_core_info()
_NC = _SC_INFO.num_cores
_NS = _SC_INFO.num_subcores
_NW = _NC * _NS
_L = _SC_INFO.num_lanes


@functools.cache
def _make_gather(lseq: int, b: int, v: int):
    assert b % (_NW * _L) == 0
    cols_per_w = b // _NW
    mesh = plsc.VectorSubcoreMesh(core_axis_name="c", subcore_axis_name="s")

    @functools.partial(
        pl.kernel,
        out_type=jax.ShapeDtypeStruct((lseq, 1, b), jnp.float32),
        mesh=mesh,
        compiler_params=pltpu.CompilerParams(needs_layout_passes=False),
        scratch_types=[
            pltpu.VMEM((lseq, cols_per_w), jnp.int32),
            pltpu.VMEM((lseq, cols_per_w), jnp.float32),
            pltpu.VMEM((v,), jnp.float32),
            pltpu.SemaphoreType.DMA,
        ],
    )
    def gather_kernel(table_hbm, xt_hbm, out_hbm, idx_v, out_v, table_v, sem):
        wid = lax.axis_index("s") * _NC + lax.axis_index("c")
        c0 = wid * cols_per_w
        a_in = pltpu.async_copy(xt_hbm.at[:, pl.ds(c0, cols_per_w)], idx_v, sem)
        pltpu.sync_copy(table_hbm, table_v)
        a_in.wait()

        blk = 10 if lseq % 10 == 0 else 1

        @plsc.parallel_loop(0, cols_per_w // _L, unroll=2)
        def _gather_iter(g):
            off = pl.multiple_of(g.astype(jnp.int32) * _L, _L)
            for r0 in range(0, lseq, blk):
                vals = [
                    plsc.load_gather(table_v, [idx_v[r, pl.ds(off, _L)]])
                    for r in range(r0, r0 + blk)
                ]
                for j, r in enumerate(range(r0, r0 + blk)):
                    out_v[r, pl.ds(off, _L)] = vals[j]

        pltpu.sync_copy(out_v, out_hbm.at[:, 0, pl.ds(c0, cols_per_w)])

    return gather_kernel


def kernel(x, W_emb, W1, b1):
    B, Lseq = x.shape
    V, _ = W_emb.shape
    table = _build_table(
        W_emb.T.astype(jnp.float32), W1.astype(jnp.float32), b1.astype(jnp.float32)
    )
    out3 = _make_gather(Lseq, B, V)(table, x.T.astype(jnp.int32))
    return out3.transpose((2, 0, 1))

# --- scband reference (transcript-rebuilt; emitter-appended) ---
"""Pipeline reference for scband-question-generator-85048942396153 (READ-ONLY COPY).

The authoritative reference and input builder live on the scoring server;
editing this copy changes nothing except your own understanding.
"""

import jax, jax.numpy as jnp
import numpy as np


def setup_inputs(seed: int = 0) -> dict:
    key = jax.random.key(seed)
    k1, k2, k3, k4 = jax.random.split(key, 4)
    x = jax.random.randint(k1, (16384, 50), 0, 2500, dtype=jnp.int64)
    # Embedding table: nn.Embedding(2500, 100)
    W_emb = jax.random.normal(k2, (2500, 100), dtype=jnp.float32)
    # Linear(100, 1)
    W1 = jax.random.normal(k3, (1, 100), dtype=jnp.float32) * (1.0 / np.sqrt(100.0))
    b1 = jax.random.normal(k4, (1,), dtype=jnp.float32) * (1.0 / np.sqrt(100.0))
    return {"x": x, "W_emb": W_emb, "W1": W1, "b1": b1}


def reference(x, W_emb, W1, b1):
    # output = relu(embedding(x))
    emb = jnp.take(W_emb, x, axis=0)          # [B, L, 100]
    out = jax.nn.relu(emb)
    # output = relu(linear(out))
    out = jnp.dot(out, W1.T) + b1             # [B, L, 1]
    out = jax.nn.relu(out)
    return out

if __name__ == "__main__":
    import jax
    _d = setup_inputs()
    print(jax.jit(kernel)(*tuple(_d.values())))

</pallas_src>

<mosaic_0001>
#map = affine_map<(d0, d1) -> (0)>
#map1 = affine_map<(d0, d1) -> (0, 0)>
#map2 = affine_map<(d0, d1) -> (0, 0, 0)>
module attributes {stable_mosaic.version = 14 : i64} {
  func.func @gather_kernel(%arg0: i32, %arg1: i32, %arg2: memref<2500xf32, #tpu.memory_space<hbm>>, %arg3: memref<50x16384xi32, #tpu.memory_space<hbm>>, %arg4: memref<50x1x16384xf32, #tpu.memory_space<hbm>>, %arg5: memref<50x512xi32, #tpu.memory_space<vmem>>, %arg6: memref<50x512xf32, #tpu.memory_space<vmem>>, %arg7: memref<2500xf32, #tpu.memory_space<vmem>>, %arg8: memref<!tpu.dma_semaphore, #tpu.memory_space<semaphore_mem>>) attributes {dimension_semantics = [#tpu.dimension_semantics<core_parallel>, #tpu.dimension_semantics<subcore_parallel>], iteration_bounds = array<i64: 2, 16>, scalar_prefetch = 0 : i64, scratch_operands = 4 : i64, tpu.core_type = #tpu.core_type<sc_vector_subcore>, window_params = [{transform_indices = #map}, {transform_indices = #map1}, {transform_indices = #map2}]} {
    %mul3A = arith.constant 2 : i32
    %mul3A_0 = arith.muli %arg1, %mul3A : i32
    %add3A = arith.addi %mul3A_0, %arg0 : i32
    %mul3A_1 = arith.constant 512 : i32
    %mul3A_2 = arith.muli %add3A, %mul3A_1 : i32
    %dma_start3A = arith.constant 0 : i32
    %dma_start3A_3 = tpu.memref_slice %arg3[%dma_start3A, %mul3A_2] : memref<50x16384xi32, #tpu.memory_space<hbm>> -> memref<50x512xi32, #tpu.memory_space<hbm>>
    %dma_start3A_4 = arith.constant 0 : i32
    %dma_start3A_5 = tpu.memref_slice %arg3[%dma_start3A_4, %mul3A_2] : memref<50x16384xi32, #tpu.memory_space<hbm>> -> memref<50x512xi32, #tpu.memory_space<hbm>>
    tpu.enqueue_dma source(%dma_start3A_5 : memref<50x512xi32, #tpu.memory_space<hbm>>) target(%arg5 : memref<50x512xi32, #tpu.memory_space<vmem>>) target_semaphore(%arg8 : memref<!tpu.dma_semaphore, #tpu.memory_space<semaphore_mem>>)
    "tpu.region"() ({
      %run_scoped3A_11 = tpu.sem_alloc : memref<!tpu.dma_semaphore, #tpu.memory_space<semaphore_mem>>
      tpu.enqueue_dma source(%arg2 : memref<2500xf32, #tpu.memory_space<hbm>>) target(%arg7 : memref<2500xf32, #tpu.memory_space<vmem>>) target_semaphore(%run_scoped3A_11 : memref<!tpu.dma_semaphore, #tpu.memory_space<semaphore_mem>>)
      tpu.wait_dma2 semaphore(%run_scoped3A_11 : memref<!tpu.dma_semaphore, #tpu.memory_space<semaphore_mem>>) src(%arg2 : memref<2500xf32, #tpu.memory_space<hbm>>) dst(%arg7 : memref<2500xf32, #tpu.memory_space<vmem>>)
      tpu.yield
    }) : () -> ()
    %dma_wait3A = arith.constant 0 : i32
    %dma_wait3A_6 = tpu.memref_slice %arg3[%dma_wait3A, %mul3A_2] : memref<50x16384xi32, #tpu.memory_space<hbm>> -> memref<50x512xi32, #tpu.memory_space<hbm>>
    %dma_wait3A_7 = arith.constant 0 : i32
    %dma_wait3A_8 = tpu.memref_slice %arg3[%dma_wait3A_7, %mul3A_2] : memref<50x16384xi32, #tpu.memory_space<hbm>> -> memref<50x512xi32, #tpu.memory_space<hbm>>
    tpu.wait_dma2 semaphore(%arg8 : memref<!tpu.dma_semaphore, #tpu.memory_space<semaphore_mem>>) src(%dma_wait3A_8 : memref<50x512xi32, #tpu.memory_space<hbm>>) dst(%arg5 : memref<50x512xi32, #tpu.memory_space<vmem>>)
    %parallel_loop3A = arith.constant 0 : i32
    %parallel_loop3A_9 = arith.constant 32 : i32
    %parallel_loop3A_10 = arith.constant 1 : i32
    scf.for %parallel_loop3A_11 = %parallel_loop3A to %parallel_loop3A_9 step %parallel_loop3A_10  : i32 {
      %parallel_loop3A_12 = arith.constant 16 : i32
      %parallel_loop3A_13 = arith.muli %parallel_loop3A_11, %parallel_loop3A_12 : i32
      %parallel_loop3A_14 = tpu.assume_multiple %parallel_loop3A_13, 16 : i32
      %parallel_loop3A_15 = arith.constant 0 : i32
      %parallel_loop3A_16 = arith.index_cast %parallel_loop3A_15 : i32 to index
      %parallel_loop3A_17 = arith.index_cast %parallel_loop3A_14 : i32 to index
      %parallel_loop3A_18 = tpu.vector_load %arg5[%parallel_loop3A_16, %parallel_loop3A_17] {strides = array<i32>} : memref<50x512xi32, #tpu.memory_space<vmem>>, vector<16xi32>,
      %parallel_loop3A_19 = tpu.vector_load_idx %arg7[%parallel_loop3A_18] : memref<2500xf32, #tpu.memory_space<vmem>>[vector<16xi32>], vector<16xf32>,
      %parallel_loop3A_20 = arith.constant 1 : i32
      %parallel_loop3A_21 = arith.index_cast %parallel_loop3A_20 : i32 to index
      %parallel_loop3A_22 = arith.index_cast %parallel_loop3A_14 : i32 to index
      %parallel_loop3A_23 = tpu.vector_load %arg5[%parallel_loop3A_21, %parallel_loop3A_22] {strides = array<i32>} : memref<50x512xi32, #tpu.memory_space<vmem>>, vector<16xi32>,
      %parallel_loop3A_24 = tpu.vector_load_idx %arg7[%parallel_loop3A_23] : memref<2500xf32, #tpu.memory_space<vmem>>[vector<16xi32>], vector<16xf32>,
      %parallel_loop3A_25 = arith.constant 2 : i32
      %parallel_loop3A_26 = arith.index_cast %parallel_loop3A_25 : i32 to index
      %parallel_loop3A_27 = arith.index_cast %parallel_loop3A_14 : i32 to index
      %parallel_loop3A_28 = tpu.vector_load %arg5[%parallel_loop3A_26, %parallel_loop3A_27] {strides = array<i32>} : memref<50x512xi32, #tpu.memory_space<vmem>>, vector<16xi32>,
      %parallel_loop3A_29 = tpu.vector_load_idx %arg7[%parallel_loop3A_28] : memref<2500xf32, #tpu.memory_space<vmem>>[vector<16xi32>], vector<16xf32>,
      %parallel_loop3A_30 = arith.constant 3 : i32
      %parallel_loop3A_31 = arith.index_cast %parallel_loop3A_30 : i32 to index
      %parallel_loop3A_32 = arith.index_cast %parallel_loop3A_14 : i32 to index
      %parallel_loop3A_33 = tpu.vector_load %arg5[%parallel_loop3A_31, %parallel_loop3A_32] {strides = array<i32>} : memref<50x512xi32, #tpu.memory_space<vmem>>, vector<16xi32>,
      %parallel_loop3A_34 = tpu.vector_load_idx %arg7[%parallel_loop3A_33] : memref<2500xf32, #tpu.memory_space<vmem>>[vector<16xi32>], vector<16xf32>,
      %parallel_loop3A_35 = arith.constant 4 : i32
      %parallel_loop3A_36 = arith.index_cast %parallel_loop3A_35 : i32 to index
      %parallel_loop3A_37 = arith.index_cast %parallel_loop3A_14 : i32 to index
      %parallel_loop3A_38 = tpu.vector_load %arg5[%parallel_loop3A_36, %parallel_loop3A_37] {strides = array<i32>} : memref<50x512xi32, #tpu.memory_space<vmem>>, vector<16xi32>,
      %parallel_loop3A_39 = tpu.vector_load_idx %arg7[%parallel_loop3A_38] : memref<2500xf32, #tpu.memory_space<vmem>>[vector<16xi32>], vector<16xf32>,
      %parallel_loop3A_40 = arith.constant 5 : i32
      %parallel_loop3A_41 = arith.index_cast %parallel_loop3A_40 : i32 to index
      %parallel_loop3A_42 = arith.index_cast %parallel_loop3A_14 : i32 to index
      %parallel_loop3A_43 = tpu.vector_load %arg5[%parallel_loop3A_41, %parallel_loop3A_42] {strides = array<i32>} : memref<50x512xi32, #tpu.memory_space<vmem>>, vector<16xi32>,
      %parallel_loop3A_44 = tpu.vector_load_idx %arg7[%parallel_loop3A_43] : memref<2500xf32, #tpu.memory_space<vmem>>[vector<16xi32>], vector<16xf32>,
      %parallel_loop3A_45 = arith.constant 6 : i32
      %parallel_loop3A_46 = arith.index_cast %parallel_loop3A_45 : i32 to index
      %parallel_loop3A_47 = arith.index_cast %parallel_loop3A_14 : i32 to index
      %parallel_loop3A_48 = tpu.vector_load %arg5[%parallel_loop3A_46, %parallel_loop3A_47] {strides = array<i32>} : memref<50x512xi32, #tpu.memory_space<vmem>>, vector<16xi32>,
      %parallel_loop3A_49 = tpu.vector_load_idx %arg7[%parallel_loop3A_48] : memref<2500xf32, #tpu.memory_space<vmem>>[vector<16xi32>], vector<16xf32>,
      %parallel_loop3A_50 = arith.constant 7 : i32
      %parallel_loop3A_51 = arith.index_cast %parallel_loop3A_50 : i32 to index
      %parallel_loop3A_52 = arith.index_cast %parallel_loop3A_14 : i32 to index
      %parallel_loop3A_53 = tpu.vector_load %arg5[%parallel_loop3A_51, %parallel_loop3A_52] {strides = array<i32>} : memref<50x512xi32, #tpu.memory_space<vmem>>, vector<16xi32>,
      %parallel_loop3A_54 = tpu.vector_load_idx %arg7[%parallel_loop3A_53] : memref<2500xf32, #tpu.memory_space<vmem>>[vector<16xi32>], vector<16xf32>,
      %parallel_loop3A_55 = arith.constant 8 : i32
      %parallel_loop3A_56 = arith.index_cast %parallel_loop3A_55 : i32 to index
      %parallel_loop3A_57 = arith.index_cast %parallel_loop3A_14 : i32 to index
      %parallel_loop3A_58 = tpu.vector_load %arg5[%parallel_loop3A_56, %parallel_loop3A_57] {strides = array<i32>} : memref<50x512xi32, #tpu.memory_space<vmem>>, vector<16xi32>,
      %parallel_loop3A_59 = tpu.vector_load_idx %arg7[%parallel_loop3A_58] : memref<2500xf32, #tpu.memory_space<vmem>>[vector<16xi32>], vector<16xf32>,
      %parallel_loop3A_60 = arith.constant 9 : i32
      %parallel_loop3A_61 = arith.index_cast %parallel_loop3A_60 : i32 to index
      %parallel_loop3A_62 = arith.index_cast %parallel_loop3A_14 : i32 to index
      %parallel_loop3A_63 = tpu.vector_load %arg5[%parallel_loop3A_61, %parallel_loop3A_62] {strides = array<i32>} : memref<50x512xi32, #tpu.memory_space<vmem>>, vector<16xi32>,
      %parallel_loop3A_64 = tpu.vector_load_idx %arg7[%parallel_loop3A_63] : memref<2500xf32, #tpu.memory_space<vmem>>[vector<16xi32>], vector<16xf32>,
      %parallel_loop3A_65 = arith.constant 0 : i32
      %parallel_loop3A_66 = arith.index_cast %parallel_loop3A_65 : i32 to index
      %parallel_loop3A_67 = arith.index_cast %parallel_loop3A_14 : i32 to index
      %parallel_loop3A_68 = tpu.vector_load %arg6[%parallel_loop3A_66, %parallel_loop3A_67] {strides = array<i32>} : memref<50x512xf32, #tpu.memory_space<vmem>>, vector<16xf32>,
      tpu.vector_store %arg6[%parallel_loop3A_66, %parallel_loop3A_67], %parallel_loop3A_19 {strides = array<i32>} : memref<50x512xf32, #tpu.memory_space<vmem>>, vector<16xf32>,
      %parallel_loop3A_69 = arith.constant 1 : i32
      %parallel_loop3A_70 = arith.index_cast %parallel_loop3A_69 : i32 to index
      %parallel_loop3A_71 = arith.index_cast %parallel_loop3A_14 : i32 to index
      %parallel_loop3A_72 = tpu.vector_load %arg6[%parallel_loop3A_70, %parallel_loop3A_71] {strides = array<i32>} : memref<50x512xf32, #tpu.memory_space<vmem>>, vector<16xf32>,
      tpu.vector_store %arg6[%parallel_loop3A_70, %parallel_loop3A_71], %parallel_loop3A_24 {strides = array<i32>} : memref<50x512xf32, #tpu.memory_space<vmem>>, vector<16xf32>,
      %parallel_loop3A_73 = arith.constant 2 : i32
      %parallel_loop3A_74 = arith.index_cast %parallel_loop3A_73 : i32 to index
      %parallel_loop3A_75 = arith.index_cast %parallel_loop3A_14 : i32 to index
      %parallel_loop3A_76 = tpu.vector_load %arg6[%parallel_loop3A_74, %parallel_loop3A_75] {strides = array<i32>} : memref<50x512xf32, #tpu.memory_space<vmem>>, vector<16xf32>,
      tpu.vector_store %arg6[%parallel_loop3A_74, %parallel_loop3A_75], %parallel_loop3A_29 {strides = array<i32>} : memref<50x512xf32, #tpu.memory_space<vmem>>, vector<16xf32>,
      %parallel_loop3A_77 = arith.constant 3 : i32
      %parallel_loop3A_78 = arith.index_cast %parallel_loop3A_77 : i32 to index
      %parallel_loop3A_79 = arith.index_cast %parallel_loop3A_14 : i32 to index
      %parallel_loop3A_80 = tpu.vector_load %arg6[%parallel_loop3A_78, %parallel_loop3A_79] {strides = array<i32>} : memref<50x512xf32, #tpu.memory_space<vmem>>, vector<16xf32>,
      tpu.vector_store %arg6[%parallel_loop3A_78, %parallel_loop3A_79], %parallel_loop3A_34 {strides = array<i32>} : memref<50x512xf32, #tpu.memory_space<vmem>>, vector<16xf32>,
      %parallel_loop3A_81 = arith.constant 4 : i32
      %parallel_loop3A_82 = arith.index_cast %parallel_loop3A_81 : i32 to index
      %parallel_loop3A_83 = arith.index_cast %parallel_loop3A_14 : i32 to index
      %parallel_loop3A_84 = tpu.vector_load %arg6[%parallel_loop3A_82, %parallel_loop3A_83] {strides = array<i32>} : memref<50x512xf32, #tpu.memory_space<vmem>>, vector<16xf32>,
      tpu.vector_store %arg6[%parallel_loop3A_82, %parallel_loop3A_83], %parallel_loop3A_39 {strides = array<i32>} : memref<50x512xf32, #tpu.memory_space<vmem>>, vector<16xf32>,
      %parallel_loop3A_85 = arith.constant 5 : i32
      %parallel_loop3A_86 = arith.index_cast %parallel_loop3A_85 : i32 to index
      %parallel_loop3A_87 = arith.index_cast %parallel_loop3A_14 : i32 to index
      %parallel_loop3A_88 = tpu.vector_load %arg6[%parallel_loop3A_86, %parallel_loop3A_87] {strides = array<i32>} : memref<50x512xf32, #tpu.memory_space<vmem>>, vector<16xf32>,
      tpu.vector_store %arg6[%parallel_loop3A_86, %parallel_loop3A_87], %parallel_loop3A_44 {strides = array<i32>} : memref<50x512xf32, #tpu.memory_space<vmem>>, vector<16xf32>,
      %parallel_loop3A_89 = arith.constant 6 : i32
      %parallel_loop3A_90 = arith.index_cast %parallel_loop3A_89 : i32 to index
      %parallel_loop3A_91 = arith.index_cast %parallel_loop3A_14 : i32 to index
      %parallel_loop3A_92 = tpu.vector_load %arg6[%parallel_loop3A_90, %parallel_loop3A_91] {strides = array<i32>} : memref<50x512xf32, #tpu.memory_space<vmem>>, vector<16xf32>,
      tpu.vector_store %arg6[%parallel_loop3A_90, %parallel_loop3A_91], %parallel_loop3A_49 {strides = array<i32>} : memref<50x512xf32, #tpu.memory_space<vmem>>, vector<16xf32>,
      %parallel_loop3A_93 = arith.constant 7 : i32
      %parallel_loop3A_94 = arith.index_cast %parallel_loop3A_93 : i32 to index
      %parallel_loop3A_95 = arith.index_cast %parallel_loop3A_14 : i32 to index
      %parallel_loop3A_96 = tpu.vector_load %arg6[%parallel_loop3A_94, %parallel_loop3A_95] {strides = array<i32>} : memref<50x512xf32, #tpu.memory_space<vmem>>, vector<16xf32>,
      tpu.vector_store %arg6[%parallel_loop3A_94, %parallel_loop3A_95], %parallel_loop3A_54 {strides = array<i32>} : memref<50x512xf32, #tpu.memory_space<vmem>>, vector<16xf32>,
      %parallel_loop3A_97 = arith.constant 8 : i32
      %parallel_loop3A_98 = arith.index_cast %parallel_loop3A_97 : i32 to index
      %parallel_loop3A_99 = arith.index_cast %parallel_loop3A_14 : i32 to index
      %parallel_loop3A_100 = tpu.vector_load %arg6[%parallel_loop3A_98, %parallel_loop3A_99] {strides = array<i32>} : memref<50x512xf32, #tpu.memory_space<vmem>>, vector<16xf32>,
      tpu.vector_store %arg6[%parallel_loop3A_98, %parallel_loop3A_99], %parallel_loop3A_59 {strides = array<i32>} : memref<50x512xf32, #tpu.memory_space<vmem>>, vector<16xf32>,
      %parallel_loop3A_101 = arith.constant 9 : i32
      %parallel_loop3A_102 = arith.index_cast %parallel_loop3A_101 : i32 to index
      %parallel_loop3A_103 = arith.index_cast %parallel_loop3A_14 : i32 to index
      %parallel_loop3A_104 = tpu.vector_load %arg6[%parallel_loop3A_102, %parallel_loop3A_103] {strides = array<i32>} : memref<50x512xf32, #tpu.memory_space<vmem>>, vector<16xf32>,
      tpu.vector_store %arg6[%parallel_loop3A_102, %parallel_loop3A_103], %parallel_loop3A_64 {strides = array<i32>} : memref<50x512xf32, #tpu.memory_space<vmem>>, vector<16xf32>,
      %parallel_loop3A_105 = arith.constant 10 : i32
      %parallel_loop3A_106 = arith.index_cast %parallel_loop3A_105 : i32 to index
      %parallel_loop3A_107 = arith.index_cast %parallel_loop3A_14 : i32 to index
      %parallel_loop3A_108 = tpu.vector_load %arg5[%parallel_loop3A_106, %parallel_loop3A_107] {strides = array<i32>} : memref<50x512xi32, #tpu.memory_space<vmem>>, vector<16xi32>,
      %parallel_loop3A_109 = tpu.vector_load_idx %arg7[%parallel_loop3A_108] : memref<2500xf32, #tpu.memory_space<vmem>>[vector<16xi32>], vector<16xf32>,
      %parallel_loop3A_110 = arith.constant 11 : i32
      %parallel_loop3A_111 = arith.index_cast %parallel_loop3A_110 : i32 to index
      %parallel_loop3A_112 = arith.index_cast %parallel_loop3A_14 : i32 to index
      %parallel_loop3A_113 = tpu.vector_load %arg5[%parallel_loop3A_111, %parallel_loop3A_112] {strides = array<i32>} : memref<50x512xi32, #tpu.memory_space<vmem>>, vector<16xi32>,
      %parallel_loop3A_114 = tpu.vector_load_idx %arg7[%parallel_loop3A_113] : memref<2500xf32, #tpu.memory_space<vmem>>[vector<16xi32>], vector<16xf32>,
      %parallel_loop3A_115 = arith.constant 12 : i32
      %parallel_loop3A_116 = arith.index_cast %parallel_loop3A_115 : i32 to index
      %parallel_loop3A_117 = arith.index_cast %parallel_loop3A_14 : i32 to index
      %parallel_loop3A_118 = tpu.vector_load %arg5[%parallel_loop3A_116, %parallel_loop3A_117] {strides = array<i32>} : memref<50x512xi32, #tpu.memory_space<vmem>>, vector<16xi32>,
      %parallel_loop3A_119 = tpu.vector_load_idx %arg7[%parallel_loop3A_118] : memref<2500xf32, #tpu.memory_space<vmem>>[vector<16xi32>], vector<16xf32>,
      %parallel_loop3A_120 = arith.constant 13 : i32
      %parallel_loop3A_121 = arith.index_cast %parallel_loop3A_120 : i32 to index
      %parallel_loop3A_122 = arith.index_cast %parallel_loop3A_14 : i32 to index
      %parallel_loop3A_123 = tpu.vector_load %arg5[%parallel_loop3A_121, %parallel_loop3A_122] {strides = array<i32>} : memref<50x512xi32, #tpu.memory_space<vmem>>, vector<16xi32>,
      %parallel_loop3A_124 = tpu.vector_load_idx %arg7[%parallel_loop3A_123] : memref<2500xf32, #tpu.memory_space<vmem>>[vector<16xi32>], vector<16xf32>,
      %parallel_loop3A_125 = arith.constant 14 : i32
      %parallel_loop3A_126 = arith.index_cast %parallel_loop3A_125 : i32 to index
      %parallel_loop3A_127 = arith.index_cast %parallel_loop3A_14 : i32 to index
      %parallel_loop3A_128 = tpu.vector_load %arg5[%parallel_loop3A_126, %parallel_loop3A_127] {strides = array<i32>} : memref<50x512xi32, #tpu.memory_space<vmem>>, vector<16xi32>,
      %parallel_loop3A_129 = tpu.vector_load_idx %arg7[%parallel_loop3A_128] : memref<2500xf32, #tpu.memory_space<vmem>>[vector<16xi32>], vector<16xf32>,
      %parallel_loop3A_130 = arith.constant 15 : i32
      %parallel_loop3A_131 = arith.index_cast %parallel_loop3A_130 : i32 to index
      %parallel_loop3A_132 = arith.index_cast %parallel_loop3A_14 : i32 to index
      %parallel_loop3A_133 = tpu.vector_load %arg5[%parallel_loop3A_131, %parallel_loop3A_132] {strides = array<i32>} : memref<50x512xi32, #tpu.memory_space<vmem>>, vector<16xi32>,
      %parallel_loop3A_134 = tpu.vector_load_idx %arg7[%parallel_loop3A_133] : memref<2500xf32, #tpu.memory_space<vmem>>[vector<16xi32>], vector<16xf32>,
      %parallel_loop3A_135 = arith.constant 16 : i32
      %parallel_loop3A_136 = arith.index_cast %parallel_loop3A_135 : i32 to index
      %parallel_loop3A_137 = arith.index_cast %parallel_loop3A_14 : i32 to index
      %parallel_loop3A_138 = tpu.vector_load %arg5[%parallel_loop3A_136, %parallel_loop3A_137] {strides = array<i32>} : memref<50x512xi32, #tpu.memory_space<vmem>>, vector<16xi32>,
      %parallel_loop3A_139 = tpu.vector_load_idx %arg7[%parallel_loop3A_138] : memref<2500xf32, #tpu.memory_space<vmem>>[vector<16xi32>], vector<16xf32>,
      %parallel_loop3A_140 = arith.constant 17 : i32
      %parallel_loop3A_141 = arith.index_cast %parallel_loop3A_140 : i32 to index
      %parallel_loop3A_142 = arith.index_cast %parallel_loop3A_14 : i32 to index
      %parallel_loop3A_143 = tpu.vector_load %arg5[%parallel_loop3A_141, %parallel_loop3A_142] {strides = array<i32>} : memref<50x512xi32, #tpu.memory_space<vmem>>, vector<16xi32>,
      %parallel_loop3A_144 = tpu.vector_load_idx %arg7[%parallel_loop3A_143] : memref<2500xf32, #tpu.memory_space<vmem>>[vector<16xi32>], vector<16xf32>,
      %parallel_loop3A_145 = arith.constant 18 : i32
      %parallel_loop3A_146 = arith.index_cast %parallel_loop3A_145 : i32 to index
      %parallel_loop3A_147 = arith.index_cast %parallel_loop3A_14 : i32 to index
      %parallel_loop3A_148 = tpu.vector_load %arg5[%parallel_loop3A_146, %parallel_loop3A_147] {strides = array<i32>} : memref<50x512xi32, #tpu.memory_space<vmem>>, vector<16xi32>,
      %parallel_loop3A_149 = tpu.vector_load_idx %arg7[%parallel_loop3A_148] : memref<2500xf32, #tpu.memory_space<vmem>>[vector<16xi32>], vector<16xf32>,
      %parallel_loop3A_150 = arith.constant 19 : i32
      %parallel_loop3A_151 = arith.index_cast %parallel_loop3A_150 : i32 to index
      %parallel_loop3A_152 = arith.index_cast %parallel_loop3A_14 : i32 to index
      %parallel_loop3A_153 = tpu.vector_load %arg5[%parallel_loop3A_151, %parallel_loop3A_152] {strides = array<i32>} : memref<50x512xi32, #tpu.memory_space<vmem>>, vector<16xi32>,
      %parallel_loop3A_154 = tpu.vector_load_idx %arg7[%parallel_loop3A_153] : memref<2500xf32, #tpu.memory_space<vmem>>[vector<16xi32>], vector<16xf32>,
      %parallel_loop3A_155 = arith.constant 10 : i32
      %parallel_loop3A_156 = arith.index_cast %parallel_loop3A_155 : i32 to index
      %parallel_loop3A_157 = arith.index_cast %parallel_loop3A_14 : i32 to index
      %parallel_loop3A_158 = tpu.vector_load %arg6[%parallel_loop3A_156, %parallel_loop3A_157] {strides = array<i32>} : memref<50x512xf32, #tpu.memory_space<vmem>>, vector<16xf32>,
      tpu.vector_store %arg6[%parallel_loop3A_156, %parallel_loop3A_157], %parallel_loop3A_109 {strides = array<i32>} : memref<50x512xf32, #tpu.memory_space<vmem>>, vector<16xf32>,
      %parallel_loop3A_159 = arith.constant 11 : i32
      %parallel_loop3A_160 = arith.index_cast %parallel_loop3A_159 : i32 to index
      %parallel_loop3A_161 = arith.index_cast %parallel_loop3A_14 : i32 to index
      %parallel_loop3A_162 = tpu.vector_load %arg6[%parallel_loop3A_160, %parallel_loop3A_161] {strides = array<i32>} : memref<50x512xf32, #tpu.memory_space<vmem>>, vector<16xf32>,
      tpu.vector_store %arg6[%parallel_loop3A_160, %parallel_loop3A_161], %parallel_loop3A_114 {strides = array<i32>} : memref<50x512xf32, #tpu.memory_space<vmem>>, vector<16xf32>,
      %parallel_loop3A_163 = arith.constant 12 : i32
      %parallel_loop3A_164 = arith.index_cast %parallel_loop3A_163 : i32 to index
      %parallel_loop3A_165 = arith.index_cast %parallel_loop3A_14 : i32 to index
      %parallel_loop3A_166 = tpu.vector_load %arg6[%parallel_loop3A_164, %parallel_loop3A_165] {strides = array<i32>} : memref<50x512xf32, #tpu.memory_space<vmem>>, vector<16xf32>,
      tpu.vector_store %arg6[%parallel_loop3A_164, %parallel_loop3A_165], %parallel_loop3A_119 {strides = array<i32>} : memref<50x512xf32, #tpu.memory_space<vmem>>, vector<16xf32>,
      %parallel_loop3A_167 = arith.constant 13 : i32
      %parallel_loop3A_168 = arith.index_cast %parallel_loop3A_167 : i32 to index
      %parallel_loop3A_169 = arith.index_cast %parallel_loop3A_14 : i32 to index
      %parallel_loop3A_170 = tpu.vector_load %arg6[%parallel_loop3A_168, %parallel_loop3A_169] {strides = array<i32>} : memref<50x512xf32, #tpu.memory_space<vmem>>, vector<16xf32>,
      tpu.vector_store %arg6[%parallel_loop3A_168, %parallel_loop3A_169], %parallel_loop3A_124 {strides = array<i32>} : memref<50x512xf32, #tpu.memory_space<vmem>>, vector<16xf32>,
      %parallel_loop3A_171 = arith.constant 14 : i32
      %parallel_loop3A_172 = arith.index_cast %parallel_loop3A_171 : i32 to index
      %parallel_loop3A_173 = arith.index_cast %parallel_loop3A_14 : i32 to index
      %parallel_loop3A_174 = tpu.vector_load %arg6[%parallel_loop3A_172, %parallel_loop3A_173] {strides = array<i32>} : memref<50x512xf32, #tpu.memory_space<vmem>>, vector<16xf32>,
      tpu.vector_store %arg6[%parallel_loop3A_172, %parallel_loop3A_173], %parallel_loop3A_129 {strides = array<i32>} : memref<50x512xf32, #tpu.memory_space<vmem>>, vector<16xf32>,
      %parallel_loop3A_175 = arith.constant 15 : i32
      %parallel_loop3A_176 = arith.index_cast %parallel_loop3A_175 : i32 to index
      %parallel_loop3A_177 = arith.index_cast %parallel_loop3A_14 : i32 to index
      %parallel_loop3A_178 = tpu.vector_load %arg6[%parallel_loop3A_176, %parallel_loop3A_177] {strides = array<i32>} : memref<50x512xf32, #tpu.memory_space<vmem>>, vector<16xf32>,
      tpu.vector_store %arg6[%parallel_loop3A_176, %parallel_loop3A_177], %parallel_loop3A_134 {strides = array<i32>} : memref<50x512xf32, #tpu.memory_space<vmem>>, vector<16xf32>,
      %parallel_loop3A_179 = arith.constant 16 : i32
      %parallel_loop3A_180 = arith.index_cast %parallel_loop3A_179 : i32 to index
      %parallel_loop3A_181 = arith.index_cast %parallel_loop3A_14 : i32 to index
      %parallel_loop3A_182 = tpu.vector_load %arg6[%parallel_loop3A_180, %parallel_loop3A_181] {strides = array<i32>} : memref<50x512xf32, #tpu.memory_space<vmem>>, vector<16xf32>,
      tpu.vector_store %arg6[%parallel_loop3A_180, %parallel_loop3A_181], %parallel_loop3A_139 {strides = array<i32>} : memref<50x512xf32, #tpu.memory_space<vmem>>, vector<16xf32>,
      %parallel_loop3A_183 = arith.constant 17 : i32
      %parallel_loop3A_184 = arith.index_cast %parallel_loop3A_183 : i32 to index
      %parallel_loop3A_185 = arith.index_cast %parallel_loop3A_14 : i32 to index
      %parallel_loop3A_186 = tpu.vector_load %arg6[%parallel_loop3A_184, %parallel_loop3A_185] {strides = array<i32>} : memref<50x512xf32, #tpu.memory_space<vmem>>, vector<16xf32>,
      tpu.vector_store %arg6[%parallel_loop3A_184, %parallel_loop3A_185], %parallel_loop3A_144 {strides = array<i32>} : memref<50x512xf32, #tpu.memory_space<vmem>>, vector<16xf32>,
      %parallel_loop3A_187 = arith.constant 18 : i32
      %parallel_loop3A_188 = arith.index_cast %parallel_loop3A_187 : i32 to index
      %parallel_loop3A_189 = arith.index_cast %parallel_loop3A_14 : i32 to index
      %parallel_loop3A_190 = tpu.vector_load %arg6[%parallel_loop3A_188, %parallel_loop3A_189] {strides = array<i32>} : memref<50x512xf32, #tpu.memory_space<vmem>>, vector<16xf32>,
      tpu.vector_store %arg6[%parallel_loop3A_188, %parallel_loop3A_189], %parallel_loop3A_149 {strides = array<i32>} : memref<50x512xf32, #tpu.memory_space<vmem>>, vector<16xf32>,
      %parallel_loop3A_191 = arith.constant 19 : i32
      %parallel_loop3A_192 = arith.index_cast %parallel_loop3A_191 : i32 to index
      %parallel_loop3A_193 = arith.index_cast %parallel_loop3A_14 : i32 to index
      %parallel_loop3A_194 = tpu.vector_load %arg6[%parallel_loop3A_192, %parallel_loop3A_193] {strides = array<i32>} : memref<50x512xf32, #tpu.memory_space<vmem>>, vector<16xf32>,
      tpu.vector_store %arg6[%parallel_loop3A_192, %parallel_loop3A_193], %parallel_loop3A_154 {strides = array<i32>} : memref<50x512xf32, #tpu.memory_space<vmem>>, vector<16xf32>,
      %parallel_loop3A_195 = arith.constant 20 : i32
      %parallel_loop3A_196 = arith.index_cast %parallel_loop3A_195 : i32 to index
      %parallel_loop3A_197 = arith.index_cast %parallel_loop3A_14 : i32 to index
      %parallel_loop3A_198 = tpu.vector_load %arg5[%parallel_loop3A_196, %parallel_loop3A_197] {strides = array<i32>} : memref<50x512xi32, #tpu.memory_space<vmem>>, vector<16xi32>,
      %parallel_loop3A_199 = tpu.vector_load_idx %arg7[%parallel_loop3A_198] : memref<2500xf32, #tpu.memory_space<vmem>>[vector<16xi32>], vector<16xf32>,
      %parallel_loop3A_200 = arith.constant 21 : i32
      %parallel_loop3A_201 = arith.index_cast %parallel_loop3A_200 : i32 to index
      %parallel_loop3A_202 = arith.index_cast %parallel_loop3A_14 : i32 to index
      %parallel_loop3A_203 = tpu.vector_load %arg5[%parallel_loop3A_201, %parallel_loop3A_202] {strides = array<i32>} : memref<50x512xi32, #tpu.memory_space<vmem>>, vector<16xi32>,
      %parallel_loop3A_204 = tpu.vector_load_idx %arg7[%parallel_loop3A_203] : memref<2500xf32, #tpu.memory_space<vmem>>[vector<16xi32>], vector<16xf32>,
      %parallel_loop3A_205 = arith.constant 22 : i32
      %parallel_loop3A_206 = arith.index_cast %parallel_loop3A_205 : i32 to index
      %parallel_loop3A_207 = arith.index_cast %parallel_loop3A_14 : i32 to index
      %parallel_loop3A_208 = tpu.vector_load %arg5[%parallel_loop3A_206, %parallel_loop3A_207] {strides = array<i32>} : memref<50x512xi32, #tpu.memory_space<vmem>>, vector<16xi32>,
      %parallel_loop3A_209 = tpu.vector_load_idx %arg7[%parallel_loop3A_208] : memref<2500xf32, #tpu.memory_space<vmem>>[vector<16xi32>], vector<16xf32>,
      %parallel_loop3A_210 = arith.constant 23 : i32
      %parallel_loop3A_211 = arith.index_cast %parallel_loop3A_210 : i32 to index
      %parallel_loop3A_212 = arith.index_cast %parallel_loop3A_14 : i32 to index
      %parallel_loop3A_213 = tpu.vector_load %arg5[%parallel_loop3A_211, %parallel_loop3A_212] {strides = array<i32>} : memref<50x512xi32, #tpu.memory_space<vmem>>, vector<16xi32>,
      %parallel_loop3A_214 = tpu.vector_load_idx %arg7[%parallel_loop3A_213] : memref<2500xf32, #tpu.memory_space<vmem>>[vector<16xi32>], vector<16xf32>,
      %parallel_loop3A_215 = arith.constant 24 : i32
      %parallel_loop3A_216 = arith.index_cast %parallel_loop3A_215 : i32 to index
      %parallel_loop3A_217 = arith.index_cast %parallel_loop3A_14 : i32 to index
      %parallel_loop3A_218 = tpu.vector_load %arg5[%parallel_loop3A_216, %parallel_loop3A_217] {strides = array<i32>} : memref<50x512xi32, #tpu.memory_space<vmem>>, vector<16xi32>,
      %parallel_loop3A_219 = tpu.vector_load_idx %arg7[%parallel_loop3A_218] : memref<2500xf32, #tpu.memory_space<vmem>>[vector<16xi32>], vector<16xf32>,
      %parallel_loop3A_220 = arith.constant 25 : i32
      %parallel_loop3A_221 = arith.index_cast %parallel_loop3A_220 : i32 to index
      %parallel_loop3A_222 = arith.index_cast %parallel_loop3A_14 : i32 to index
      %parallel_loop3A_223 = tpu.vector_load %arg5[%parallel_loop3A_221, %parallel_loop3A_222] {strides = array<i32>} : memref<50x512xi32, #tpu.memory_space<vmem>>, vector<16xi32>,
      %parallel_loop3A_224 = tpu.vector_load_idx %arg7[%parallel_loop3A_223] : memref<2500xf32, #tpu.memory_space<vmem>>[vector<16xi32>], vector<16xf32>,
      %parallel_loop3A_225 = arith.constant 26 : i32
      %parallel_loop3A_226 = arith.index_cast %parallel_loop3A_225 : i32 to index
      %parallel_loop3A_227 = arith.index_cast %parallel_loop3A_14 : i32 to index
      %parallel_loop3A_228 = tpu.vector_load %arg5[%parallel_loop3A_226, %parallel_loop3A_227] {strides = array<i32>} : memref<50x512xi32, #tpu.memory_space<vmem>>, vector<16xi32>,
      %parallel_loop3A_229 = tpu.vector_load_idx %arg7[%parallel_loop3A_228] : memref<2500xf32, #tpu.memory_space<vmem>>[vector<16xi32>], vector<16xf32>,
      %parallel_loop3A_230 = arith.constant 27 : i32
      %parallel_loop3A_231 = arith.index_cast %parallel_loop3A_230 : i32 to index
      %parallel_loop3A_232 = arith.index_cast %parallel_loop3A_14 : i32 to index
      %parallel_loop3A_233 = tpu.vector_load %arg5[%parallel_loop3A_231, %parallel_loop3A_232] {strides = array<i32>} : memref<50x512xi32, #tpu.memory_space<vmem>>, vector<16xi32>,
      %parallel_loop3A_234 = tpu.vector_load_idx %arg7[%parallel_loop3A_233] : memref<2500xf32, #tpu.memory_space<vmem>>[vector<16xi32>], vector<16xf32>,
      %parallel_loop3A_235 = arith.constant 28 : i32
      %parallel_loop3A_236 = arith.index_cast %parallel_loop3A_235 : i32 to index
      %parallel_loop3A_237 = arith.index_cast %parallel_loop3A_14 : i32 to index
      %parallel_loop3A_238 = tpu.vector_load %arg5[%parallel_loop3A_236, %parallel_loop3A_237] {strides = array<i32>} : memref<50x512xi32, #tpu.memory_space<vmem>>, vector<16xi32>,
      %parallel_loop3A_239 = tpu.vector_load_idx %arg7[%parallel_loop3A_238] : memref<2500xf32, #tpu.memory_space<vmem>>[vector<16xi32>], vector<16xf32>,
      %parallel_loop3A_240 = arith.constant 29 : i32
      %parallel_loop3A_241 = arith.index_cast %parallel_loop3A_240 : i32 to index
      %parallel_loop3A_242 = arith.index_cast %parallel_loop3A_14 : i32 to index
      %parallel_loop3A_243 = tpu.vector_load %arg5[%parallel_loop3A_241, %parallel_loop3A_242] {strides = array<i32>} : memref<50x512xi32, #tpu.memory_space<vmem>>, vector<16xi32>,
      %parallel_loop3A_244 = tpu.vector_load_idx %arg7[%parallel_loop3A_243] : memref<2500xf32, #tpu.memory_space<vmem>>[vector<16xi32>], vector<16xf32>,
      %parallel_loop3A_245 = arith.constant 20 : i32
      %parallel_loop3A_246 = arith.index_cast %parallel_loop3A_245 : i32 to index
      %parallel_loop3A_247 = arith.index_cast %parallel_loop3A_14 : i32 to index
      %parallel_loop3A_248 = tpu.vector_load %arg6[%parallel_loop3A_246, %parallel_loop3A_247] {strides = array<i32>} : memref<50x512xf32, #tpu.memory_space<vmem>>, vector<16xf32>,
      tpu.vector_store %arg6[%parallel_loop3A_246, %parallel_loop3A_247], %parallel_loop3A_199 {strides = array<i32>} : memref<50x512xf32, #tpu.memory_space<vmem>>, vector<16xf32>,
      %parallel_loop3A_249 = arith.constant 21 : i32
      %parallel_loop3A_250 = arith.index_cast %parallel_loop3A_249 : i32 to index
      %parallel_loop3A_251 = arith.index_cast %parallel_loop3A_14 : i32 to index
      %parallel_loop3A_252 = tpu.vector_load %arg6[%parallel_loop3A_250, %parallel_loop3A_251] {strides = array<i32>} : memref<50x512xf32, #tpu.memory_space<vmem>>, vector<16xf32>,
      tpu.vector_store %arg6[%parallel_loop3A_250, %parallel_loop3A_251], %parallel_loop3A_204 {strides = array<i32>} : memref<50x512xf32, #tpu.memory_space<vmem>>, vector<16xf32>,
      %parallel_loop3A_253 = arith.constant 22 : i32
      %parallel_loop3A_254 = arith.index_cast %parallel_loop3A_253 : i32 to index
      %parallel_loop3A_255 = arith.index_cast %parallel_loop3A_14 : i32 to index
      %parallel_loop3A_256 = tpu.vector_load %arg6[%parallel_loop3A_254, %parallel_loop3A_255] {strides = array<i32>} : memref<50x512xf32, #tpu.memory_space<vmem>>, vector<16xf32>,
      tpu.vector_store %arg6[%parallel_loop3A_254, %parallel_loop3A_255], %parallel_loop3A_209 {strides = array<i32>} : memref<50x512xf32, #tpu.memory_space<vmem>>, vector<16xf32>,
      %parallel_loop3A_257 = arith.constant 23 : i32
      %parallel_loop3A_258 = arith.index_cast %parallel_loop3A_257 : i32 to index
      %parallel_loop3A_259 = arith.index_cast %parallel_loop3A_14 : i32 to index
      %parallel_loop3A_260 = tpu.vector_load %arg6[%parallel_loop3A_258, %parallel_loop3A_259] {strides = array<i32>} : memref<50x512xf32, #tpu.memory_space<vmem>>, vector<16xf32>,
      tpu.vector_store %arg6[%parallel_loop3A_258, %parallel_loop3A_259], %parallel_loop3A_214 {strides = array<i32>} : memref<50x512xf32, #tpu.memory_space<vmem>>, vector<16xf32>,
      %parallel_loop3A_261 = arith.constant 24 : i32
      %parallel_loop3A_262 = arith.index_cast %parallel_loop3A_261 : i32 to index
      %parallel_loop3A_263 = arith.index_cast %parallel_loop3A_14 : i32 to index
      %parallel_loop3A_264 = tpu.vector_load %arg6[%parallel_loop3A_262, %parallel_loop3A_263] {strides = array<i32>} : memref<50x512xf32, #tpu.memory_space<vmem>>, vector<16xf32>,
      tpu.vector_store %arg6[%parallel_loop3A_262, %parallel_loop3A_263], %parallel_loop3A_219 {strides = array<i32>} : memref<50x512xf32, #tpu.memory_space<vmem>>, vector<16xf32>,
      %parallel_loop3A_265 = arith.constant 25 : i32
      %parallel_loop3A_266 = arith.index_cast %parallel_loop3A_265 : i32 to index
      %parallel_loop3A_267 = arith.index_cast %parallel_loop3A_14 : i32 to index
      %parallel_loop3A_268 = tpu.vector_load %arg6[%parallel_loop3A_266, %parallel_loop3A_267] {strides = array<i32>} : memref<50x512xf32, #tpu.memory_space<vmem>>, vector<16xf32>,
      tpu.vector_store %arg6[%parallel_loop3A_266, %parallel_loop3A_267], %parallel_loop3A_224 {strides = array<i32>} : memref<50x512xf32, #tpu.memory_space<vmem>>, vector<16xf32>,
      %parallel_loop3A_269 = arith.constant 26 : i32
      %parallel_loop3A_270 = arith.index_cast %parallel_loop3A_269 : i32 to index
      %parallel_loop3A_271 = arith.index_cast %parallel_loop3A_14 : i32 to index
      %parallel_loop3A_272 = tpu.vector_load %arg6[%parallel_loop3A_270, %parallel_loop3A_271] {strides = array<i32>} : memref<50x512xf32, #tpu.memory_space<vmem>>, vector<16xf32>,
      tpu.vector_store %arg6[%parallel_loop3A_270, %parallel_loop3A_271], %parallel_loop3A_229 {strides = array<i32>} : memref<50x512xf32, #tpu.memory_space<vmem>>, vector<16xf32>,
      %parallel_loop3A_273 = arith.constant 27 : i32
      %parallel_loop3A_274 = arith.index_cast %parallel_loop3A_273 : i32 to index
      %parallel_loop3A_275 = arith.index_cast %parallel_loop3A_14 : i32 to index
      %parallel_loop3A_276 = tpu.vector_load %arg6[%parallel_loop3A_274, %parallel_loop3A_275] {strides = array<i32>} : memref<50x512xf32, #tpu.memory_space<vmem>>, vector<16xf32>,
      tpu.vector_store %arg6[%parallel_loop3A_274, %parallel_loop3A_275], %parallel_loop3A_234 {strides = array<i32>} : memref<50x512xf32, #tpu.memory_space<vmem>>, vector<16xf32>,
      %parallel_loop3A_277 = arith.constant 28 : i32
      %parallel_loop3A_278 = arith.index_cast %parallel_loop3A_277 : i32 to index
      %parallel_loop3A_279 = arith.index_cast %parallel_loop3A_14 : i32 to index
      %parallel_loop3A_280 = tpu.vector_load %arg6[%parallel_loop3A_278, %parallel_loop3A_279] {strides = array<i32>} : memref<50x512xf32, #tpu.memory_space<vmem>>, vector<16xf32>,
      tpu.vector_store %arg6[%parallel_loop3A_278, %parallel_loop3A_279], %parallel_loop3A_239 {strides = array<i32>} : memref<50x512xf32, #tpu.memory_space<vmem>>, vector<16xf32>,
      %parallel_loop3A_281 = arith.constant 29 : i32
      %parallel_loop3A_282 = arith.index_cast %parallel_loop3A_281 : i32 to index
      %parallel_loop3A_283 = arith.index_cast %parallel_loop3A_14 : i32 to index
      %parallel_loop3A_284 = tpu.vector_load %arg6[%parallel_loop3A_282, %parallel_loop3A_283] {strides = array<i32>} : memref<50x512xf32, #tpu.memory_space<vmem>>, vector<16xf32>,
      tpu.vector_store %arg6[%parallel_loop3A_282, %parallel_loop3A_283], %parallel_loop3A_244 {strides = array<i32>} : memref<50x512xf32, #tpu.memory_space<vmem>>, vector<16xf32>,
      %parallel_loop3A_285 = arith.constant 30 : i32
      %parallel_loop3A_286 = arith.index_cast %parallel_loop3A_285 : i32 to index
      %parallel_loop3A_287 = arith.index_cast %parallel_loop3A_14 : i32 to index
      %parallel_loop3A_288 = tpu.vector_load %arg5[%parallel_loop3A_286, %parallel_loop3A_287] {strides = array<i32>} : memref<50x512xi32, #tpu.memory_space<vmem>>, vector<16xi32>,
      %parallel_loop3A_289 = tpu.vector_load_idx %arg7[%parallel_loop3A_288] : memref<2500xf32, #tpu.memory_space<vmem>>[vector<16xi32>], vector<16xf32>,
      %parallel_loop3A_290 = arith.constant 31 : i32
      %parallel_loop3A_291 = arith.index_cast %parallel_loop3A_290 : i32 to index
      %parallel_loop3A_292 = arith.index_cast %parallel_loop3A_14 : i32 to index
      %parallel_loop3A_293 = tpu.vector_load %arg5[%parallel_loop3A_291, %parallel_loop3A_292] {strides = array<i32>} : memref<50x512xi32, #tpu.memory_space<vmem>>, vector<16xi32>,
      %parallel_loop3A_294 = tpu.vector_load_idx %arg7[%parallel_loop3A_293] : memref<2500xf32, #tpu.memory_space<vmem>>[vector<16xi32>], vector<16xf32>,
      %parallel_loop3A_295 = arith.constant 32 : i32
      %parallel_loop3A_296 = arith.index_cast %parallel_loop3A_295 : i32 to index
      %parallel_loop3A_297 = arith.index_cast %parallel_loop3A_14 : i32 to index
      %parallel_loop3A_298 = tpu.vector_load %arg5[%parallel_loop3A_296, %parallel_loop3A_297] {strides = array<i32>} : memref<50x512xi32, #tpu.memory_space<vmem>>, vector<16xi32>,
      %parallel_loop3A_299 = tpu.vector_load_idx %arg7[%parallel_loop3A_298] : memref<2500xf32, #tpu.memory_space<vmem>>[vector<16xi32>], vector<16xf32>,
      %parallel_loop3A_300 = arith.constant 33 : i32
      %parallel_loop3A_301 = arith.index_cast %parallel_loop3A_300 : i32 to index
      %parallel_loop3A_302 = arith.index_cast %parallel_loop3A_14 : i32 to index
      %parallel_loop3A_303 = tpu.vector_load %arg5[%parallel_loop3A_301, %parallel_loop3A_302] {strides = array<i32>} : memref<50x512xi32, #tpu.memory_space<vmem>>, vector<16xi32>,
      %parallel_loop3A_304 = tpu.vector_load_idx %arg7[%parallel_loop3A_303] : memref<2500xf32, #tpu.memory_space<vmem>>[vector<16xi32>], vector<16xf32>,
      %parallel_loop3A_305 = arith.constant 34 : i32
      %parallel_loop3A_306 = arith.index_cast %parallel_loop3A_305 : i32 to index
      %parallel_loop3A_307 = arith.index_cast %parallel_loop3A_14 : i32 to index
      %parallel_loop3A_308 = tpu.vector_load %arg5[%parallel_loop3A_306, %parallel_loop3A_307] {strides = array<i32>} : memref<50x512xi32, #tpu.memory_space<vmem>>, vector<16xi32>,
      %parallel_loop3A_309 = tpu.vector_load_idx %arg7[%parallel_loop3A_308] : memref<2500xf32, #tpu.memory_space<vmem>>[vector<16xi32>], vector<16xf32>,
      %parallel_loop3A_310 = arith.constant 35 : i32
      %parallel_loop3A_311 = arith.index_cast %parallel_loop3A_310 : i32 to index
      %parallel_loop3A_312 = arith.index_cast %parallel_loop3A_14 : i32 to index
      %parallel_loop3A_313 = tpu.vector_load %arg5[%parallel_loop3A_311, %parallel_loop3A_312] {strides = array<i32>} : memref<50x512xi32, #tpu.memory_space<vmem>>, vector<16xi32>,
      %parallel_loop3A_314 = tpu.vector_load_idx %arg7[%parallel_loop3A_313] : memref<2500xf32, #tpu.memory_space<vmem>>[vector<16xi32>], vector<16xf32>,
      %parallel_loop3A_315 = arith.constant 36 : i32
      %parallel_loop3A_316 = arith.index_cast %parallel_loop3A_315 : i32 to index
      %parallel_loop3A_317 = arith.index_cast %parallel_loop3A_14 : i32 to index
      %parallel_loop3A_318 = tpu.vector_load %arg5[%parallel_loop3A_316, %parallel_loop3A_317] {strides = array<i32>} : memref<50x512xi32, #tpu.memory_space<vmem>>, vector<16xi32>,
      %parallel_loop3A_319 = tpu.vector_load_idx %arg7[%parallel_loop3A_318] : memref<2500xf32, #tpu.memory_space<vmem>>[vector<16xi32>], vector<16xf32>,
      %parallel_loop3A_320 = arith.constant 37 : i32
      %parallel_loop3A_321 = arith.index_cast %parallel_loop3A_320 : i32 to index
      %parallel_loop3A_322 = arith.index_cast %parallel_loop3A_14 : i32 to index
      %parallel_loop3A_323 = tpu.vector_load %arg5[%parallel_loop3A_321, %parallel_loop3A_322] {strides = array<i32>} : memref<50x512xi32, #tpu.memory_space<vmem>>, vector<16xi32>,
      %parallel_loop3A_324 = tpu.vector_load_idx %arg7[%parallel_loop3A_323] : memref<2500xf32, #tpu.memory_space<vmem>>[vector<16xi32>], vector<16xf32>,
      %parallel_loop3A_325 = arith.constant 38 : i32
      %parallel_loop3A_326 = arith.index_cast %parallel_loop3A_325 : i32 to index
      %parallel_loop3A_327 = arith.index_cast %parallel_loop3A_14 : i32 to index
      %parallel_loop3A_328 = tpu.vector_load %arg5[%parallel_loop3A_326, %parallel_loop3A_327] {strides = array<i32>} : memref<50x512xi32, #tpu.memory_space<vmem>>, vector<16xi32>,
      %parallel_loop3A_329 = tpu.vector_load_idx %arg7[%parallel_loop3A_328] : memref<2500xf32, #tpu.memory_space<vmem>>[vector<16xi32>], vector<16xf32>,
      %parallel_loop3A_330 = arith.constant 39 : i32
      %parallel_loop3A_331 = arith.index_cast %parallel_loop3A_330 : i32 to index
      %parallel_loop3A_332 = arith.index_cast %parallel_loop3A_14 : i32 to index
      %parallel_loop3A_333 = tpu.vector_load %arg5[%parallel_loop3A_331, %parallel_loop3A_332] {strides = array<i32>} : memref<50x512xi32, #tpu.memory_space<vmem>>, vector<16xi32>,
      %parallel_loop3A_334 = tpu.vector_load_idx %arg7[%parallel_loop3A_333] : memref<2500xf32, #tpu.memory_space<vmem>>[vector<16xi32>], vector<16xf32>,
      %parallel_loop3A_335 = arith.constant 30 : i32
      %parallel_loop3A_336 = arith.index_cast %parallel_loop3A_335 : i32 to index
      %parallel_loop3A_337 = arith.index_cast %parallel_loop3A_14 : i32 to index
      %parallel_loop3A_338 = tpu.vector_load %arg6[%parallel_loop3A_336, %parallel_loop3A_337] {strides = array<i32>} : memref<50x512xf32, #tpu.memory_space<vmem>>, vector<16xf32>,
      tpu.vector_store %arg6[%parallel_loop3A_336, %parallel_loop3A_337], %parallel_loop3A_289 {strides = array<i32>} : memref<50x512xf32, #tpu.memory_space<vmem>>, vector<16xf32>,
      %parallel_loop3A_339 = arith.constant 31 : i32
      %parallel_loop3A_340 = arith.index_cast %parallel_loop3A_339 : i32 to index
      %parallel_loop3A_341 = arith.index_cast %parallel_loop3A_14 : i32 to index
      %parallel_loop3A_342 = tpu.vector_load %arg6[%parallel_loop3A_340, %parallel_loop3A_341] {strides = array<i32>} : memref<50x512xf32, #tpu.memory_space<vmem>>, vector<16xf32>,
      tpu.vector_store %arg6[%parallel_loop3A_340, %parallel_loop3A_341], %parallel_loop3A_294 {strides = array<i32>} : memref<50x512xf32, #tpu.memory_space<vmem>>, vector<16xf32>,
      %parallel_loop3A_343 = arith.constant 32 : i32
      %parallel_loop3A_344 = arith.index_cast %parallel_loop3A_343 : i32 to index
      %parallel_loop3A_345 = arith.index_cast %parallel_loop3A_14 : i32 to index
      %parallel_loop3A_346 = tpu.vector_load %arg6[%parallel_loop3A_344, %parallel_loop3A_345] {strides = array<i32>} : memref<50x512xf32, #tpu.memory_space<vmem>>, vector<16xf32>,
      tpu.vector_store %arg6[%parallel_loop3A_344, %parallel_loop3A_345], %parallel_loop3A_299 {strides = array<i32>} : memref<50x512xf32, #tpu.memory_space<vmem>>, vector<16xf32>,
      %parallel_loop3A_347 = arith.constant 33 : i32
      %parallel_loop3A_348 = arith.index_cast %parallel_loop3A_347 : i32 to index
      %parallel_loop3A_349 = arith.index_cast %parallel_loop3A_14 : i32 to index
      %parallel_loop3A_350 = tpu.vector_load %arg6[%parallel_loop3A_348, %parallel_loop3A_349] {strides = array<i32>} : memref<50x512xf32, #tpu.memory_space<vmem>>, vector<16xf32>,
      tpu.vector_store %arg6[%parallel_loop3A_348, %parallel_loop3A_349], %parallel_loop3A_304 {strides = array<i32>} : memref<50x512xf32, #tpu.memory_space<vmem>>, vector<16xf32>,
      %parallel_loop3A_351 = arith.constant 34 : i32
      %parallel_loop3A_352 = arith.index_cast %parallel_loop3A_351 : i32 to index
      %parallel_loop3A_353 = arith.index_cast %parallel_loop3A_14 : i32 to index
      %parallel_loop3A_354 = tpu.vector_load %arg6[%parallel_loop3A_352, %parallel_loop3A_353] {strides = array<i32>} : memref<50x512xf32, #tpu.memory_space<vmem>>, vector<16xf32>,
      tpu.vector_store %arg6[%parallel_loop3A_352, %parallel_loop3A_353], %parallel_loop3A_309 {strides = array<i32>} : memref<50x512xf32, #tpu.memory_space<vmem>>, vector<16xf32>,
      %parallel_loop3A_355 = arith.constant 35 : i32
      %parallel_loop3A_356 = arith.index_cast %parallel_loop3A_355 : i32 to index
      %parallel_loop3A_357 = arith.index_cast %parallel_loop3A_14 : i32 to index
      %parallel_loop3A_358 = tpu.vector_load %arg6[%parallel_loop3A_356, %parallel_loop3A_357] {strides = array<i32>} : memref<50x512xf32, #tpu.memory_space<vmem>>, vector<16xf32>,
      tpu.vector_store %arg6[%parallel_loop3A_356, %parallel_loop3A_357], %parallel_loop3A_314 {strides = array<i32>} : memref<50x512xf32, #tpu.memory_space<vmem>>, vector<16xf32>,
      %parallel_loop3A_359 = arith.constant 36 : i32
      %parallel_loop3A_360 = arith.index_cast %parallel_loop3A_359 : i32 to index
      %parallel_loop3A_361 = arith.index_cast %parallel_loop3A_14 : i32 to index
      %parallel_loop3A_362 = tpu.vector_load %arg6[%parallel_loop3A_360, %parallel_loop3A_361] {strides = array<i32>} : memref<50x512xf32, #tpu.memory_space<vmem>>, vector<16xf32>,
      tpu.vector_store %arg6[%parallel_loop3A_360, %parallel_loop3A_361], %parallel_loop3A_319 {strides = array<i32>} : memref<50x512xf32, #tpu.memory_space<vmem>>, vector<16xf32>,
      %parallel_loop3A_363 = arith.constant 37 : i32
      %parallel_loop3A_364 = arith.index_cast %parallel_loop3A_363 : i32 to index
      %parallel_loop3A_365 = arith.index_cast %parallel_loop3A_14 : i32 to index
      %parallel_loop3A_366 = tpu.vector_load %arg6[%parallel_loop3A_364, %parallel_loop3A_365] {strides = array<i32>} : memref<50x512xf32, #tpu.memory_space<vmem>>, vector<16xf32>,
      tpu.vector_store %arg6[%parallel_loop3A_364, %parallel_loop3A_365], %parallel_loop3A_324 {strides = array<i32>} : memref<50x512xf32, #tpu.memory_space<vmem>>, vector<16xf32>,
      %parallel_loop3A_367 = arith.constant 38 : i32
      %parallel_loop3A_368 = arith.index_cast %parallel_loop3A_367 : i32 to index
      %parallel_loop3A_369 = arith.index_cast %parallel_loop3A_14 : i32 to index
      %parallel_loop3A_370 = tpu.vector_load %arg6[%parallel_loop3A_368, %parallel_loop3A_369] {strides = array<i32>} : memref<50x512xf32, #tpu.memory_space<vmem>>, vector<16xf32>,
      tpu.vector_store %arg6[%parallel_loop3A_368, %parallel_loop3A_369], %parallel_loop3A_329 {strides = array<i32>} : memref<50x512xf32, #tpu.memory_space<vmem>>, vector<16xf32>,
      %parallel_loop3A_371 = arith.constant 39 : i32
      %parallel_loop3A_372 = arith.index_cast %parallel_loop3A_371 : i32 to index
      %parallel_loop3A_373 = arith.index_cast %parallel_loop3A_14 : i32 to index
      %parallel_loop3A_374 = tpu.vector_load %arg6[%parallel_loop3A_372, %parallel_loop3A_373] {strides = array<i32>} : memref<50x512xf32, #tpu.memory_space<vmem>>, vector<16xf32>,
      tpu.vector_store %arg6[%parallel_loop3A_372, %parallel_loop3A_373], %parallel_loop3A_334 {strides = array<i32>} : memref<50x512xf32, #tpu.memory_space<vmem>>, vector<16xf32>,
      %parallel_loop3A_375 = arith.constant 40 : i32
      %parallel_loop3A_376 = arith.index_cast %parallel_loop3A_375 : i32 to index
      %parallel_loop3A_377 = arith.index_cast %parallel_loop3A_14 : i32 to index
      %parallel_loop3A_378 = tpu.vector_load %arg5[%parallel_loop3A_376, %parallel_loop3A_377] {strides = array<i32>} : memref<50x512xi32, #tpu.memory_space<vmem>>, vector<16xi32>,
      %parallel_loop3A_379 = tpu.vector_load_idx %arg7[%parallel_loop3A_378] : memref<2500xf32, #tpu.memory_space<vmem>>[vector<16xi32>], vector<16xf32>,
      %parallel_loop3A_380 = arith.constant 41 : i32
      %parallel_loop3A_381 = arith.index_cast %parallel_loop3A_380 : i32 to index
      %parallel_loop3A_382 = arith.index_cast %parallel_loop3A_14 : i32 to index
      %parallel_loop3A_383 = tpu.vector_load %arg5[%parallel_loop3A_381, %parallel_loop3A_382] {strides = array<i32>} : memref<50x512xi32, #tpu.memory_space<vmem>>, vector<16xi32>,
      %parallel_loop3A_384 = tpu.vector_load_idx %arg7[%parallel_loop3A_383] : memref<2500xf32, #tpu.memory_space<vmem>>[vector<16xi32>], vector<16xf32>,
      %parallel_loop3A_385 = arith.constant 42 : i32
      %parallel_loop3A_386 = arith.index_cast %parallel_loop3A_385 : i32 to index
      %parallel_loop3A_387 = arith.index_cast %parallel_loop3A_14 : i32 to index
      %parallel_loop3A_388 = tpu.vector_load %arg5[%parallel_loop3A_386, %parallel_loop3A_387] {strides = array<i32>} : memref<50x512xi32, #tpu.memory_space<vmem>>, vector<16xi32>,
      %parallel_loop3A_389 = tpu.vector_load_idx %arg7[%parallel_loop3A_388] : memref<2500xf32, #tpu.memory_space<vmem>>[vector<16xi32>], vector<16xf32>,
      %parallel_loop3A_390 = arith.constant 43 : i32
      %parallel_loop3A_391 = arith.index_cast %parallel_loop3A_390 : i32 to index
      %parallel_loop3A_392 = arith.index_cast %parallel_loop3A_14 : i32 to index
      %parallel_loop3A_393 = tpu.vector_load %arg5[%parallel_loop3A_391, %parallel_loop3A_392] {strides = array<i32>} : memref<50x512xi32, #tpu.memory_space<vmem>>, vector<16xi32>,
      %parallel_loop3A_394 = tpu.vector_load_idx %arg7[%parallel_loop3A_393] : memref<2500xf32, #tpu.memory_space<vmem>>[vector<16xi32>], vector<16xf32>,
      %parallel_loop3A_395 = arith.constant 44 : i32
      %parallel_loop3A_396 = arith.index_cast %parallel_loop3A_395 : i32 to index
      %parallel_loop3A_397 = arith.index_cast %parallel_loop3A_14 : i32 to index
      %parallel_loop3A_398 = tpu.vector_load %arg5[%parallel_loop3A_396, %parallel_loop3A_397] {strides = array<i32>} : memref<50x512xi32, #tpu.memory_space<vmem>>, vector<16xi32>,
      %parallel_loop3A_399 = tpu.vector_load_idx %arg7[%parallel_loop3A_398] : memref<2500xf32, #tpu.memory_space<vmem>>[vector<16xi32>], vector<16xf32>,
      %parallel_loop3A_400 = arith.constant 45 : i32
      %parallel_loop3A_401 = arith.index_cast %parallel_loop3A_400 : i32 to index
      %parallel_loop3A_402 = arith.index_cast %parallel_loop3A_14 : i32 to index
      %parallel_loop3A_403 = tpu.vector_load %arg5[%parallel_loop3A_401, %parallel_loop3A_402] {strides = array<i32>} : memref<50x512xi32, #tpu.memory_space<vmem>>, vector<16xi32>,
      %parallel_loop3A_404 = tpu.vector_load_idx %arg7[%parallel_loop3A_403] : memref<2500xf32, #tpu.memory_space<vmem>>[vector<16xi32>], vector<16xf32>,
      %parallel_loop3A_405 = arith.constant 46 : i32
      %parallel_loop3A_406 = arith.index_cast %parallel_loop3A_405 : i32 to index
      %parallel_loop3A_407 = arith.index_cast %parallel_loop3A_14 : i32 to index
      %parallel_loop3A_408 = tpu.vector_load %arg5[%parallel_loop3A_406, %parallel_loop3A_407] {strides = array<i32>} : memref<50x512xi32, #tpu.memory_space<vmem>>, vector<16xi32>,
      %parallel_loop3A_409 = tpu.vector_load_idx %arg7[%parallel_loop3A_408] : memref<2500xf32, #tpu.memory_space<vmem>>[vector<16xi32>], vector<16xf32>,
      %parallel_loop3A_410 = arith.constant 47 : i32
      %parallel_loop3A_411 = arith.index_cast %parallel_loop3A_410 : i32 to index
      %parallel_loop3A_412 = arith.index_cast %parallel_loop3A_14 : i32 to index
      %parallel_loop3A_413 = tpu.vector_load %arg5[%parallel_loop3A_411, %parallel_loop3A_412] {strides = array<i32>} : memref<50x512xi32, #tpu.memory_space<vmem>>, vector<16xi32>,
      %parallel_loop3A_414 = tpu.vector_load_idx %arg7[%parallel_loop3A_413] : memref<2500xf32, #tpu.memory_space<vmem>>[vector<16xi32>], vector<16xf32>,
      %parallel_loop3A_415 = arith.constant 48 : i32
      %parallel_loop3A_416 = arith.index_cast %parallel_loop3A_415 : i32 to index
      %parallel_loop3A_417 = arith.index_cast %parallel_loop3A_14 : i32 to index
      %parallel_loop3A_418 = tpu.vector_load %arg5[%parallel_loop3A_416, %parallel_loop3A_417] {strides = array<i32>} : memref<50x512xi32, #tpu.memory_space<vmem>>, vector<16xi32>,
      %parallel_loop3A_419 = tpu.vector_load_idx %arg7[%parallel_loop3A_418] : memref<2500xf32, #tpu.memory_space<vmem>>[vector<16xi32>], vector<16xf32>,
      %parallel_loop3A_420 = arith.constant 49 : i32
      %parallel_loop3A_421 = arith.index_cast %parallel_loop3A_420 : i32 to index
      %parallel_loop3A_422 = arith.index_cast %parallel_loop3A_14 : i32 to index
      %parallel_loop3A_423 = tpu.vector_load %arg5[%parallel_loop3A_421, %parallel_loop3A_422] {strides = array<i32>} : memref<50x512xi32, #tpu.memory_space<vmem>>, vector<16xi32>,
      %parallel_loop3A_424 = tpu.vector_load_idx %arg7[%parallel_loop3A_423] : memref<2500xf32, #tpu.memory_space<vmem>>[vector<16xi32>], vector<16xf32>,
      %parallel_loop3A_425 = arith.constant 40 : i32
      %parallel_loop3A_426 = arith.index_cast %parallel_loop3A_425 : i32 to index
      %parallel_loop3A_427 = arith.index_cast %parallel_loop3A_14 : i32 to index
      %parallel_loop3A_428 = tpu.vector_load %arg6[%parallel_loop3A_426, %parallel_loop3A_427] {strides = array<i32>} : memref<50x512xf32, #tpu.memory_space<vmem>>, vector<16xf32>,
      tpu.vector_store %arg6[%parallel_loop3A_426, %parallel_loop3A_427], %parallel_loop3A_379 {strides = array<i32>} : memref<50x512xf32, #tpu.memory_space<vmem>>, vector<16xf32>,
      %parallel_loop3A_429 = arith.constant 41 : i32
      %parallel_loop3A_430 = arith.index_cast %parallel_loop3A_429 : i32 to index
      %parallel_loop3A_431 = arith.index_cast %parallel_loop3A_14 : i32 to index
      %parallel_loop3A_432 = tpu.vector_load %arg6[%parallel_loop3A_430, %parallel_loop3A_431] {strides = array<i32>} : memref<50x512xf32, #tpu.memory_space<vmem>>, vector<16xf32>,
      tpu.vector_store %arg6[%parallel_loop3A_430, %parallel_loop3A_431], %parallel_loop3A_384 {strides = array<i32>} : memref<50x512xf32, #tpu.memory_space<vmem>>, vector<16xf32>,
      %parallel_loop3A_433 = arith.constant 42 : i32
      %parallel_loop3A_434 = arith.index_cast %parallel_loop3A_433 : i32 to index
      %parallel_loop3A_435 = arith.index_cast %parallel_loop3A_14 : i32 to index
      %parallel_loop3A_436 = tpu.vector_load %arg6[%parallel_loop3A_434, %parallel_loop3A_435] {strides = array<i32>} : memref<50x512xf32, #tpu.memory_space<vmem>>, vector<16xf32>,
      tpu.vector_store %arg6[%parallel_loop3A_434, %parallel_loop3A_435], %parallel_loop3A_389 {strides = array<i32>} : memref<50x512xf32, #tpu.memory_space<vmem>>, vector<16xf32>,
      %parallel_loop3A_437 = arith.constant 43 : i32
      %parallel_loop3A_438 = arith.index_cast %parallel_loop3A_437 : i32 to index
      %parallel_loop3A_439 = arith.index_cast %parallel_loop3A_14 : i32 to index
      %parallel_loop3A_440 = tpu.vector_load %arg6[%parallel_loop3A_438, %parallel_loop3A_439] {strides = array<i32>} : memref<50x512xf32, #tpu.memory_space<vmem>>, vector<16xf32>,
      tpu.vector_store %arg6[%parallel_loop3A_438, %parallel_loop3A_439], %parallel_loop3A_394 {strides = array<i32>} : memref<50x512xf32, #tpu.memory_space<vmem>>, vector<16xf32>,
      %parallel_loop3A_441 = arith.constant 44 : i32
      %parallel_loop3A_442 = arith.index_cast %parallel_loop3A_441 : i32 to index
      %parallel_loop3A_443 = arith.index_cast %parallel_loop3A_14 : i32 to index
      %parallel_loop3A_444 = tpu.vector_load %arg6[%parallel_loop3A_442, %parallel_loop3A_443] {strides = array<i32>} : memref<50x512xf32, #tpu.memory_space<vmem>>, vector<16xf32>,
      tpu.vector_store %arg6[%parallel_loop3A_442, %parallel_loop3A_443], %parallel_loop3A_399 {strides = array<i32>} : memref<50x512xf32, #tpu.memory_space<vmem>>, vector<16xf32>,
      %parallel_loop3A_445 = arith.constant 45 : i32
      %parallel_loop3A_446 = arith.index_cast %parallel_loop3A_445 : i32 to index
      %parallel_loop3A_447 = arith.index_cast %parallel_loop3A_14 : i32 to index
      %parallel_loop3A_448 = tpu.vector_load %arg6[%parallel_loop3A_446, %parallel_loop3A_447] {strides = array<i32>} : memref<50x512xf32, #tpu.memory_space<vmem>>, vector<16xf32>,
      tpu.vector_store %arg6[%parallel_loop3A_446, %parallel_loop3A_447], %parallel_loop3A_404 {strides = array<i32>} : memref<50x512xf32, #tpu.memory_space<vmem>>, vector<16xf32>,
      %parallel_loop3A_449 = arith.constant 46 : i32
      %parallel_loop3A_450 = arith.index_cast %parallel_loop3A_449 : i32 to index
      %parallel_loop3A_451 = arith.index_cast %parallel_loop3A_14 : i32 to index
      %parallel_loop3A_452 = tpu.vector_load %arg6[%parallel_loop3A_450, %parallel_loop3A_451] {strides = array<i32>} : memref<50x512xf32, #tpu.memory_space<vmem>>, vector<16xf32>,
      tpu.vector_store %arg6[%parallel_loop3A_450, %parallel_loop3A_451], %parallel_loop3A_409 {strides = array<i32>} : memref<50x512xf32, #tpu.memory_space<vmem>>, vector<16xf32>,
      %parallel_loop3A_453 = arith.constant 47 : i32
      %parallel_loop3A_454 = arith.index_cast %parallel_loop3A_453 : i32 to index
      %parallel_loop3A_455 = arith.index_cast %parallel_loop3A_14 : i32 to index
      %parallel_loop3A_456 = tpu.vector_load %arg6[%parallel_loop3A_454, %parallel_loop3A_455] {strides = array<i32>} : memref<50x512xf32, #tpu.memory_space<vmem>>, vector<16xf32>,
      tpu.vector_store %arg6[%parallel_loop3A_454, %parallel_loop3A_455], %parallel_loop3A_414 {strides = array<i32>} : memref<50x512xf32, #tpu.memory_space<vmem>>, vector<16xf32>,
      %parallel_loop3A_457 = arith.constant 48 : i32
      %parallel_loop3A_458 = arith.index_cast %parallel_loop3A_457 : i32 to index
      %parallel_loop3A_459 = arith.index_cast %parallel_loop3A_14 : i32 to index
      %parallel_loop3A_460 = tpu.vector_load %arg6[%parallel_loop3A_458, %parallel_loop3A_459] {strides = array<i32>} : memref<50x512xf32, #tpu.memory_space<vmem>>, vector<16xf32>,
      tpu.vector_store %arg6[%parallel_loop3A_458, %parallel_loop3A_459], %parallel_loop3A_419 {strides = array<i32>} : memref<50x512xf32, #tpu.memory_space<vmem>>, vector<16xf32>,
      %parallel_loop3A_461 = arith.constant 49 : i32
      %parallel_loop3A_462 = arith.index_cast %parallel_loop3A_461 : i32 to index
      %parallel_loop3A_463 = arith.index_cast %parallel_loop3A_14 : i32 to index
      %parallel_loop3A_464 = tpu.vector_load %arg6[%parallel_loop3A_462, %parallel_loop3A_463] {strides = array<i32>} : memref<50x512xf32, #tpu.memory_space<vmem>>, vector<16xf32>,
      tpu.vector_store %arg6[%parallel_loop3A_462, %parallel_loop3A_463], %parallel_loop3A_424 {strides = array<i32>} : memref<50x512xf32, #tpu.memory_space<vmem>>, vector<16xf32>,
    } {sc.loop_unroll_factor = 2 : i64, sc.parallel_access}
    %run_scoped3A = arith.constant 0 : i32
    "tpu.region"() ({
      %run_scoped3A_11 = tpu.sem_alloc : memref<!tpu.dma_semaphore, #tpu.memory_space<semaphore_mem>>
      %dma_start3A_12 = arith.constant 0 : i32
      %dma_start3A_13 = tpu.memref_slice %arg4[%dma_start3A_12, %run_scoped3A, %mul3A_2] : memref<50x1x16384xf32, #tpu.memory_space<hbm>> -> memref<50x1x512xf32, #tpu.memory_space<hbm>>
      %dma_start3A_14 = tpu.memref_squeeze %dma_start3A_13 : memref<50x1x512xf32, #tpu.memory_space<hbm>> -> memref<50x512xf32, #tpu.memory_space<hbm>>
      %dma_start3A_15 = arith.constant 0 : i32
      %dma_start3A_16 = tpu.memref_slice %arg4[%dma_start3A_15, %run_scoped3A, %mul3A_2] : memref<50x1x16384xf32, #tpu.memory_space<hbm>> -> memref<50x1x512xf32, #tpu.memory_space<hbm>>
      %dma_start3A_17 = tpu.memref_squeeze %dma_start3A_16 : memref<50x1x512xf32, #tpu.memory_space<hbm>> -> memref<50x512xf32, #tpu.memory_space<hbm>>
      tpu.enqueue_dma source(%arg6 : memref<50x512xf32, #tpu.memory_space<vmem>>) target(%dma_start3A_17 : memref<50x512xf32, #tpu.memory_space<hbm>>) target_semaphore(%run_scoped3A_11 : memref<!tpu.dma_semaphore, #tpu.memory_space<semaphore_mem>>)
      %dma_wait3A_18 = arith.constant 0 : i32
      %dma_wait3A_19 = tpu.memref_slice %arg4[%dma_wait3A_18, %run_scoped3A, %mul3A_2] : memref<50x1x16384xf32, #tpu.memory_space<hbm>> -> memref<50x1x512xf32, #tpu.memory_space<hbm>>
      %dma_wait3A_20 = tpu.memref_squeeze %dma_wait3A_19 : memref<50x1x512xf32, #tpu.memory_space<hbm>> -> memref<50x512xf32, #tpu.memory_space<hbm>>
      %dma_wait3A_21 = arith.constant 0 : i32
      %dma_wait3A_22 = tpu.memref_slice %arg4[%dma_wait3A_21, %run_scoped3A, %mul3A_2] : memref<50x1x16384xf32, #tpu.memory_space<hbm>> -> memref<50x1x512xf32, #tpu.memory_space<hbm>>
      %dma_wait3A_23 = tpu.memref_squeeze %dma_wait3A_22 : memref<50x1x512xf32, #tpu.memory_space<hbm>> -> memref<50x512xf32, #tpu.memory_space<hbm>>
      tpu.wait_dma2 semaphore(%run_scoped3A_11 : memref<!tpu.dma_semaphore, #tpu.memory_space<semaphore_mem>>) src(%arg6 : memref<50x512xf32, #tpu.memory_space<vmem>>) dst(%dma_wait3A_23 : memref<50x512xf32, #tpu.memory_space<hbm>>)
      tpu.yield
    }) : () -> ()
    return
  }
}

module attributes {stable_mosaic.version = 14 : i64} {
  func.func @_table_body(%arg0: memref<100x2500xf32, #tpu.memory_space<vmem>>, %arg1: memref<1x100xf32, #tpu.memory_space<vmem>>, %arg2: memref<1xf32, #tpu.memory_space<smem>>, %arg3: memref<2500xf32, #tpu.memory_space<vmem>>) attributes {dimension_semantics = [], scalar_prefetch = 0 : i64, scratch_operands = 0 : i64, tpu.core_type = #tpu.core_type<tc>} {
    %get3A = arith.constant 0 : index
    %get3A_0 = arith.constant 0 : index
    %get3A_1 = vector.load %arg0[%get3A, %get3A_0] : memref<100x2500xf32, #tpu.memory_space<vmem>>, vector<100x2500xf32>
    %max3A = arith.constant 0.000000e+00 : f32
    %max3A_2 = vector.broadcast %max3A : f32 to vector<100x2500xf32>
    %max3A_3 = arith.maximumf %get3A_1, %max3A_2 : vector<100x2500xf32>
    %get3A_4 = arith.constant 0 : index
    %get3A_5 = arith.constant 0 : index
    %get3A_6 = vector.load %arg1[%get3A_4, %get3A_5] : memref<1x100xf32, #tpu.memory_space<vmem>>, vector<1x100xf32>
    %dot_general3A = arith.constant dense<0.000000e+00> : vector<1x2500xf32>
    %dot_general3A_7 = tpu.matmul %get3A_6, %max3A_3, %dot_general3A {dimension_numbers = #tpu.dot_dimension_numbers<[1], [0], [0], [1], [0, 0, 1, 1], [], []>, transpose_lhs_hint = false} : vector<1x100xf32>, vector<100x2500xf32>, vector<1x2500xf32> -> vector<1x2500xf32>
    %squeeze3A = vector.shape_cast %dot_general3A_7 : vector<1x2500xf32> to vector<2500xf32>
    %get3A_8 = arith.constant 0 : index
    %get3A_9 = memref.load %arg2[%get3A_8] : memref<1xf32, #tpu.memory_space<smem>>
    %add3A = vector.broadcast %get3A_9 : f32 to vector<2500xf32>
    %add3A_10 = arith.addf %squeeze3A, %add3A : vector<2500xf32>
    %max3A_11 = arith.constant 0.000000e+00 : f32
    %max3A_12 = vector.broadcast %max3A_11 : f32 to vector<2500xf32>
    %max3A_13 = arith.maximumf %add3A_10, %max3A_12 : vector<2500xf32>
    %swap3A = arith.constant 0 : index
    %swap3A_14 = vector.load %arg3[%swap3A] : memref<2500xf32, #tpu.memory_space<vmem>>, vector<2500xf32>
    tpu.vector_store %arg3[%swap3A], %max3A_13 {strides = array<i32>} : memref<2500xf32, #tpu.memory_space<vmem>>, vector<2500xf32>,
    return
  }
}

</mosaic_0001>

<sc_bundles>
// kernel: kernel.4.cloned.1.call-start
scs
__scs_entry_jumppad:
0x0: {  	(pc) =	sbr.rel $0x88, $3  }
0x1: {  	(tag) =	ssettag $0x0;
	lr =	simm.s32 $0x1  }
0x2: {  	[smem:$0x3F9D] =	sst lr;
	_ =	strace $0xD0000000  }
0x3: {  	_ = 	snop  }
0x4: {  	_ = 	snop  }
0x5: {  	_ = 	snop  }
0x6: {  	_ = 	snop  }
0x7: {  	_ = 	snop  }
__scs_overlays_trampoline_lowered:
0x8: {  	[smem:$0x3FAC] =	sst s0  }
0x9: {  	[smem:$0x3FAD] =	sst s1  }
0xa: {  	[smem:$0x3FAE] =	sst s2  }
0xb: {  	[smem:$0x3FAF] =	sst s3  }
0xc: {  	[smem:$0x3FB0] =	sst s4  }
0xd: {  	[smem:$0x3FB1] =	sst s5  }
0xe: {  	[smem:$0x3FB2] =	sst s6  }
0xf: {  	[smem:$0x3FB3] =	sst s7  }
0x10: {  	[smem:$0x3FB4] =	sst s8  }
0x11: {  	[smem:$0x3FB5] =	sst s9;
	s0 =	simm.s32 @!p0 $0x0  }
0x12: {  	s1 =	sld [smem:$0x3F9B];
	s0 =	simm.s32 @p0 $0x1  }
0x13: {  	[smem:$0x3FB6] =	sst s0;
	s0 =	simm.s32 @!p1 $0x0  }
0x14: {  	s2 =	sld [smem:$0x3F9A];
	s0 =	simm.s32 @p1 $0x1  }
0x15: {  	[smem:$0x3FB7] =	sst s0;
	s0 =	simm.s32 @!p2 $0x0  }
0x16: {  	s3 =	sld [smem:$0x3FDB];
	s0 =	simm.s32 @p2 $0x1  }
0x17: {  	s4 =	simm.s32 $0x1BF5;
	[smem:$0x3FB9] =	sst s0  }
0x18: {  	s0 =	sld [smem:$0x3F9C];
	_ =	swait.ge [sflag:s4], $0x0  }
0x19: {  	s7 =	sld [smem:$0x3F9D]  }
0x1a: {  	s8 =	sadd.s32 $0xFFFFE003, lr  }
0x1b: {  	s9 =	sadd.s32 $0xFFFFFEF7, lr;
	s5 =	simm.s32 $0xFFFFFFFF;
	p2 =	slt.u32 s8, $0xFFFFF086  }
0x1c: {  	p1 =	slt.u32 s9, $0xF7A;
	s5 =	simm.s32 @!p2 $0x0  }
0x1d: {  	s5 =	simm.s32 @p1 $0x1;
	p0 =	seq.s32 s7, s2  }
0x1e: {  	s7 =	smul.u32 @!p0 $0xF7A, s2;
	p2 =	seq.s32 @!p0 s5, $0x0  }
0x1f: {  	s9 =	smul.u32 $0xF7A, s1;
	s8 =	simm.s32 @!p0 $0x1BF5;
	p2 =	por !p2, p0  }
0x20: {  	[sflag:s8] =	ssyncset.s32 @!p0 $0xFFFFF086;
	s6 =	sadd.s32 @!p0 s3, s7;
	s7 =	simm.s32 @!p0 $0x108  }
0x21: {  	s3 =	sadd.s32 s3, s9;
	s6 =	sadd.s32 @!p0 $0x88, s6;
	s7 =	simm.s32 @p2 $0x1082  }
0x22: {  	[simem:s7], [sflag:s8] =	dma.local @!p0 [hbm:s6], $0xF7A  }
0x23: {  	s9 =	sor.u32 $0xD0000000, s2;
	s6 =	simm.s32 $0x108;
	_ =	swait.ge @!p0 [sflag:s8], $0x0  }
0x24: {  	s3 =	sadd.s32 $0x88, s3;
	s6 =	simm.s32 @!p1 $0x1082;
	[sflag:s4] =	ssyncset.s32 $0xFFFFF086  }
0x25: {  	[simem:s6], [sflag:s4] =	dma.local [hbm:s3], $0xF7A  }
0x26: {  	[smem:$0x3F9D] =	sst s1;
	(tag) =	ssettag s2;
	_ =	strace s9  }
0x27: {  	s1 =	sld [smem:$0x3FAD]  }
0x28: {  	s2 =	sld [smem:$0x3FAE]  }
0x29: {  	s4 =	sld [smem:$0x3FB0]  }
0x2a: {  	p0 =	seq.s32 s5, $0x0;
	s5 =	sld [smem:$0x3FB1]  }
0x2b: {  	s6 =	sld [smem:$0x3FB2]  }
0x2c: {  	s7 =	sld [smem:$0x3FB3]  }
0x2d: {  	s3 =	simm.s32 $0x108;
	s8 =	sld [smem:$0x3FB4]  }
0x2e: {  	s3 =	simm.s32 @!p0 $0x1082;
	s9 =	sld [smem:$0x3FB5]  }
0x2f: {  	lr =	sadd.s32 s0, s3;
	s0 =	sld [smem:$0x3FAC]  }
0x30: {  	s3 =	sld [smem:$0x3FAF]  }
0x31: {  	[smem:$0x3FB8] =	sst s10  }
0x32: {  	s10 =	sld [smem:$0x3FB6];
	_ =	sdelay $0x3  }
0x33: {  	p0 =	seq.s32 s10, $0x1;
	s10 =	sld [smem:$0x3FB8];
	_ =	sdelay $0x3  }
0x34: {  	[smem:$0x3FB8] =	sst s10  }
0x35: {  	s10 =	sld [smem:$0x3FB7];
	_ =	sdelay $0x3  }
0x36: {  	p1 =	seq.s32 s10, $0x1;
	s10 =	sld [smem:$0x3FB8];
	_ =	sdelay $0x3  }
0x37: {  	[smem:$0x3FB8] =	sst s10  }
0x38: {  	s10 =	sld [smem:$0x3FB9]  }
0x39: {  	_ = 	snop;
	(pc) =	sbr.ind lr, $3  }
0x3a: {  	_ = 	snop  }
0x3b: {  	_ = 	snop  }
0x3c: {  	p2 =	seq.s32 s10, $0x1;
	s10 =	sld [smem:$0x3FB8]  }
0x3d: {  	_ =	shalt  }
0x3e: {  	_ =	shalt  }
0x3f: {  	_ =	shalt  }
0x40: {  	_ =	shalt  }
0x41: {  	_ =	shalt  }
0x42: {  	_ =	shalt  }
0x43: {  	_ =	shalt  }
0x44: {  	_ =	shalt  }
0x45: {  	_ =	shalt  }
0x46: {  	_ =	shalt  }
0x47: {  	_ =	shalt  }
0x48: {  	_ =	shalt  }
0x49: {  	_ =	shalt  }
0x4a: {  	_ =	shalt  }
0x4b: {  	_ =	shalt  }
0x4c: {  	_ =	shalt  }
0x4d: {  	_ =	shalt  }
0x4e: {  	_ =	shalt  }
0x4f: {  	_ =	shalt  }
0x50: {  	_ =	shalt  }
0x51: {  	_ =	shalt  }
0x52: {  	_ =	shalt  }
0x53: {  	_ =	shalt  }
0x54: {  	_ =	shalt  }
0x55: {  	_ =	shalt  }
0x56: {  	_ =	shalt  }
0x57: {  	_ =	shalt  }
0x58: {  	_ =	shalt  }
0x59: {  	_ =	shalt  }
0x5a: {  	_ =	shalt  }
0x5b: {  	_ =	shalt  }
0x5c: {  	_ =	shalt  }
0x5d: {  	_ =	shalt  }
0x5e: {  	_ =	shalt  }
0x5f: {  	_ =	shalt  }
0x60: {  	_ =	shalt  }
0x61: {  	_ =	shalt  }
0x62: {  	_ =	shalt  }
0x63: {  	_ =	shalt  }
0x64: {  	_ =	shalt  }
0x65: {  	_ =	shalt  }
0x66: {  	_ =	shalt  }
0x67: {  	_ =	shalt  }
0x68: {  	_ =	shalt  }
0x69: {  	_ =	shalt  }
0x6a: {  	_ =	shalt  }
0x6b: {  	_ =	shalt  }
0x6c: {  	_ =	shalt  }
0x6d: {  	_ =	shalt  }
0x6e: {  	_ =	shalt  }
0x6f: {  	_ =	shalt  }
0x70: {  	_ =	shalt  }
0x71: {  	_ =	shalt  }
0x72: {  	_ =	shalt  }
0x73: {  	_ =	shalt  }
0x74: {  	_ =	shalt  }
0x75: {  	_ =	shalt  }
0x76: {  	_ =	shalt  }
0x77: {  	_ =	shalt  }
0x78: {  	_ =	shalt  }
0x79: {  	_ =	shalt  }
0x7a: {  	_ =	shalt  }
0x7b: {  	_ =	shalt  }
0x7c: {  	_ =	shalt  }
0x7d: {  	_ =	shalt  }
0x7e: {  	_ =	shalt  }
0x7f: {  	_ =	shalt  }
0x80: {  	_ =	shalt  }
0x81: {  	_ =	shalt  }
0x82: {  	_ =	shalt  }
0x83: {  	_ =	shalt  }
0x84: {  	_ =	shalt  }
0x85: {  	_ =	shalt  }
0x86: {  	_ =	shalt  }
0x87: {  	_ =	shalt  }
.Lfunc_end0:
.L_simem_size_0:
called_computation_lowered:
.L_overlay_start_0:
0x88: {  	s2 =	sld [smem:$0x3FD9]  }
0x89: {  	s3 =	sld [smem:$0x3FFE];
	_ =	sdelay $0x1  }
0x8a: {  	s1 =	srdreg.scid  }
0x8b: {  	s0 =	sand.u32 $0x1, s1  }
0x8c: {  	s17 =	sshll.u32 s0, $0xA;
	s2 =	sadd.s32 s3, s2  }
0x8d: {  	s2 =	sadd.s32 s2, s17  }
0x8e: {  	[smem:$0x3FC4] =	sst s2  }
0x8f: {  	_ = 	snop  }
0x90: {  	s2 =	sld [smem:$0x3FC9]  }
0x91: {  	s18 =	sld [smem:$0x3FD0];
	(tm) =	ssettm $0x1  }
0x92: {  	s4 =	sld [smem:$0x3FFB];
	_ =	sdelay $0x3  }
0x93: {  	_ =	strace s4  }
0x94: {  	s4 =	sld [smem:$0x3FFC];
	_ =	sdelay $0x3  }
0x95: {  	_ =	strace s4  }
0x96: {  	s4 =	sld [smem:$0x3FFD];
	_ =	sdelay $0x3  }
0x97: {  	_ =	strace s4  }
0x98: {  	_ =	strace $0x8FFFFFFF  }
0x99: {  	s19 =	sld [smem:$0x3FDB];
	_ =	sdelay $0x1  }
0x9a: {  	s5 =	simm.s32 $_scs_section_size  }
0x9b: {  	s6 =	simm.s32 $_size__tile_overlayer_lowered;
	s7 =	simm.s32 $_tile_overlayer_lowered  }
0x9c: {  	s22 =	simm.s32 $0x1BFF;
	s21 =	sshll.u32 s7, $0x1;
	s4 =	sadd.s32 s5, s19  }
0x9d: {  	s8 =	simm.s32 $0x0;
	s20 =	sshll.u32 s6, $0x1;
	s6 =	sadd.s32 s21, s4  }
0x9e: {  	[timem:s8], [sflag:s22] =	dma.local [hbm:s6], s20  }
0x9f: {  	_ =	swait.ge [sflag:s22], s20  }
0xa0: {  	s5 =	ssub.s32 $0x0, s20;
	[sflag:s22] =	ssyncset.done $0x0  }
0xa1: {  	[sflag:s22] =	ssyncadd.s32 s5;
	_ =	sdelay $0x1  }
0xa2: {  	s23 =	simm.s32 $0x1B8B  }
0xa3: {  	_ =	swait.ge [sflag:s23], $0x1  }
0xa4: {  	[sflag:s23] =	ssyncset.done $0x0  }
0xa5: {  	s25 =	simm.s32 $0x1B8E;
	s24 =	sld [smem:$0x3FFE];
	[sflag:s23] =	ssyncadd.s32 $0xFFFFFFFF  }
0xa6: {  	s26 =	simm.s32 $execute0_lowered;
	[smem:$0x3FD2] =	sst s25  }
0xa7: {  	s6 =	sshll.u32 s26, $0x1;
	_ =	strace $0x80000046;
	[dreg:$0x1] =	wrdreg $0xFFFFFFFF  }
0xa8: {  	s28 =	simm.s32 $_size_execute0_lowered;
	s4 =	sadd.s32 s4, s6;
	[dreg:$0x0] =	wrdreg $0x0  }
0xa9: {  	s6 =	sshll.u32 s28, $0x1;
	[dreg:$0x2] =	wrdreg s4  }
0xaa: {  	[dreg:$0x3] =	wrdreg s6  }
0xab: {  	[dreg:$0x4] =	wrdreg $0xC0  }
0xac: {  	_ =	task [dreg:s8], $0x5FFFF  }
0xad: {  	[dreg:$0x1] =	wrdreg $0xFFFFFFFF  }
0xae: {  	[dreg:$0x0] =	wrdreg $0x60  }
0xaf: {  	[dreg:$0x2] =	wrdreg s24  }
0xb0: {  	[dreg:$0x3] =	wrdreg s2  }
0xb1: {  	[dreg:$0x4] =	wrdreg s18  }
0xb2: {  	[dreg:$0x5] =	wrdreg $0x9  }
0xb3: {  	_ =	task.clear_ibuf [dreg:s8], $0x6FFFF;
	_ =	strace $0x90000046  }
0xb4: {  	s29 =	simm.s32 $0x9;
	_ =	strace $0x80000048  }
0xb5: {  	_ =	swait.ge [sflag:s29], $0x1  }
0xb6: {  	[sflag:s29] =	ssyncadd.s32 $0xFFFFFFFF  }
0xb7: {  	_ =	strace $0x90000048  }
0xb8: {  	_ =	sfence  }
0xb9: {  	s30 =	sld [smem:$0x0];
	_ =	sdelay $0x2  }
0xba: {  	s31 =	sshll.u32 s1, $0xD;
	s1 =	sshrl.u32 s1, $0x2  }
0xbb: {  	s3 =	sand.u32 $0x4000, s31;
	s1 =	sadd.s32 s1, s30  }
0xbc: {  	s0 =	sor.u32 s3, s0;
	s1 =	sshll.u32 s1, $0x11  }
0xbd: {  	s0 =	sor.u32 s1, s0  }
0xbe: {  	s0 =	sadd.s32 $0x8F2B, s0  }
0xbf: {  	[sflag:s0] =	ssyncadd.remote.s32 $0x1  }
0xc0: {  	_ =	sfence.sel $0xFFFF  }
0xc1: {  	[dreg:$0x0] =	wrdreg $0xFFFFFFFF;
	(pc) =	sbr.abs _section_cstart, $3  }
0xc2: {  	[dreg:$0x1] =	wrdreg $0xFFFFFFFF  }
0xc3: {  	_ =	task.clear_ibuf [dreg:s8], $0x2FFFF;
	_ =	strace $0x9FFFFFFF  }
0xc4: {  	(tm) =	ssettm $0x7FFFFFFF  }
0xc5: {  	_ =	shalt  }
tec
execute0_lowered:
.L_overlay_start_1:
0x0: {  	(tag) =	ssettag $0x1  }
0x1: {  	s0 =	rddreg [dreg:$0x0]  }
0x2: {  	s1 =	rddreg [dreg:$0x1]  }
0x3: {  	s2 =	rddreg [dreg:$0x2]  }
0x4: {  	s4 =	simm.s32 $0x0;
	s3 =	srdreg.scid;
	s5 =	stileid.u32  }
0x5: {  	[smem:$0x7FF] =	sst s4;
	s3 =	sand.u32 $0x1, s3;
	s5 =	sshll.u32 s5, $0xA  }
0x6: {  	s0 =	sadd.s32 $0xA00, s0;
	s28 =	ssub.s32 $0x2, s3;
	s3 =	sshll.u32 s3, $0x9  }
0x7: {  	_ =	strace $0x80000047;
	[dreg:$0x9] =	wrdreg s0;
	s3 =	sor.u32 s3, s5  }
0x8: {  	s6 =	sshrl.u32 s28, $0x1;
	s30 =	sshrl.u32 s3, $0x3;
	s1 =	sadd.s32 s1, s3  }
0x9: {  	s29 =	ssub.s32 s28, s6;
	[dreg:$0xa] =	wrdreg s1;
	s31 =	sadd.s32 s2, s30  }
0xa: {  	s9 =	simm.s32 $0xE000;
	s0 =	smax.u32 s29, $0x1;
	[dreg:$0xb] =	wrdreg s31  }
0xb: {  	s3 =	simm.s32 $0x2;
	s1 =	simm.s32 $0x0;
	[dreg:$0xc] =	wrdreg s0  }
.LBB2_1:
0xc: {  	[dreg:$0xd] =	wrdreg s1;
	s7 =	simm.s32 $0x0  }
0xd: {  	s0 =	rddreg [dreg:$0xa];
	s23 =	simm.s32 $0x1000;
	s2 =	simm.s32 $0x20000  }
0xe: {  	[tilespmem:s7], [sflag:$0x1] =	stream.strided.gather [hbm4b:s0+s23], $0x7000, s2, s23, $0x38;
	[tilespmem:$0xEA00] =	vst v63  }
0xf: {  	s24 =	rddreg [dreg:$0x9]  }
0x10: {  	[tilespmem:s9], [sflag:$0x2] =	stream.linear.gather [hbm4b:s24+s7], $0xA00, $0x38;
	[tilespmem:$0xEA00] =	vst v63  }
0x11: {  	_ =	swait.ge [sflag:s3], $0xA00  }
0x12: {  	[sflag:s3] =	ssyncset.done $0x0  }
0x13: {  	s25 =	simm.s32 $0x1;
	[sflag:s3] =	ssyncadd.s32 $0xFFFFF600  }
0x14: {  	_ =	swait.ge [sflag:s25], $0x7000  }
0x15: {  	s26 =	sand.u32 $0x60, s7;
	s29 =	sand.u32 $0xC00, s7;
	[sflag:s25] =	ssyncset.done $0x0  }
0x16: {  	s22 =	sor.u32 s26, s29;
	[sflag:s25] =	ssyncadd.s32 $0xFFFF9000  }
0x17: {  	v0 =	vld [tilespmem:s22+$0x10]  }
0x18: {  	v1 =	vld [tilespmem:s22+$0x90]  }
0x19: {  	v2 =	vld [tilespmem:s22+$0x110]  }
0x1a: {  	s30 =	sand.u32 $0x3, s7;
	v3 =	vld [tilespmem:s22+$0x190]  }
0x1b: {  	s0 =	sshll.u32 s30, $0x5;
	v4 =	vld [tilespmem:s22+$0x210]  }
0x1c: {  	s0 =	sadd.s32 $0x0, s0;
	v5 =	vld [tilespmem:s22+$0x290]  }
0x1d: {  	s31 =	sadd.s32 $0x10, s0;
	v6 =	vld [tilespmem:s22+$0x1010]  }
0x1e: {  	s5 =	sor.u32 $0x300, s31;
	v7 =	vld [tilespmem:s22+$0x1090]  }
0x1f: {  	s6 =	sor.u32 $0x380, s31;
	v8 =	vld [tilespmem:s5+$0x0]  }
0x20: {  	v9 =	vld [tilespmem:s6+$0x0]  }
0x21: {  	v0 =	vld.idx.msk [tilespmem:v0+s9+$0x0], $0xffff  }
0x22: {  	v1 =	vld.idx.msk [tilespmem:v1+s9+$0x0], $0xffff  }
0x23: {  	v2 =	vld.idx.msk [tilespmem:v2+s9+$0x0], $0xffff  }
0x24: {  	v3 =	vld.idx.msk [tilespmem:v3+s9+$0x0], $0xffff  }
0x25: {  	v4 =	vld.idx.msk [tilespmem:v4+s9+$0x0], $0xffff  }
0x26: {  	v5 =	vld.idx.msk [tilespmem:v5+s9+$0x0], $0xffff  }
0x27: {  	v6 =	vld.idx.msk [tilespmem:v6+s9+$0x0], $0xffff  }
0x28: {  	v7 =	vld.idx.msk [tilespmem:v7+s9+$0x0], $0xffff  }
0x29: {  	v8 =	vld.idx.msk [tilespmem:v8+s9+$0x0], $0xffff  }
0x2a: {  	s12 =	sand.u32 $0xFFFFFC00, s7;
	v9 =	vld.idx.msk [tilespmem:v9+s9+$0x0], $0xffff;
	[tilespmem:s22+$0x7010] =	vst v0  }
0x2b: {  	s1 =	sadd.s32 $0x0, s12;
	s13 =	sor.u32 $0x300, s0;
	v10 =	vld [tilespmem:s22+$0x280];
	[tilespmem:s22+$0x7090] =	vst v1  }
0x2c: {  	s4 =	sor.u32 $0x180, s1;
	[tilespmem:s22+$0x7110] =	vst v2;
	v0 =	vld [tilespmem:s13+$0x0]  }
0x2d: {  	[tilespmem:s22+$0x7190] =	vst v3;
	v1 =	vld [tilespmem:s4+$0x0]  }
0x2e: {  	[tilespmem:s22+$0x7210] =	vst v4;
	v2 =	vld [tilespmem:s22+$0x0]  }
0x2f: {  	[tilespmem:s22+$0x7290] =	vst v5;
	v3 =	vld [tilespmem:s22+$0x80]  }
0x30: {  	v4 =	vld [tilespmem:s22+$0x100];
	[tilespmem:s5+$0x7000] =	vst v8  }
0x31: {  	[tilespmem:s6+$0x7000] =	vst v9;
	v9 =	vld [tilespmem:s22+$0x200]  }
0x32: {  	v5 =	vld [tilespmem:s22+$0x1110]  }
0x33: {  	v8 =	vld [tilespmem:s22+$0x1190]  }
0x34: {  	[tilespmem:s22+$0x8010] =	vst v6;
	v6 =	vld [tilespmem:s22+$0x1210]  }
0x35: {  	[tilespmem:s22+$0x8090] =	vst v7;
	v7 =	vld [tilespmem:s22+$0x1290]  }
0x36: {  	v13 =	vld [tilespmem:s22+$0x2010]  }
0x37: {  	v14 =	vld [tilespmem:s22+$0x2090]  }
0x38: {  	v15 =	vld [tilespmem:s22+$0x2110]  }
0x39: {  	s14 =	sor.u32 $0x1300, s31;
	v16 =	vld [tilespmem:s22+$0x2190]  }
0x3a: {  	s15 =	sor.u32 $0x1380, s31;
	v11 =	vld [tilespmem:s14+$0x0]  }
0x3b: {  	v12 =	vld [tilespmem:s15+$0x0]  }
0x3c: {  	v5 =	vld.idx.msk [tilespmem:v5+s9+$0x0], $0xffff  }
0x3d: {  	v8 =	vld.idx.msk [tilespmem:v8+s9+$0x0], $0xffff  }
0x3e: {  	v6 =	vld.idx.msk [tilespmem:v6+s9+$0x0], $0xffff  }
0x3f: {  	v7 =	vld.idx.msk [tilespmem:v7+s9+$0x0], $0xffff  }
0x40: {  	v13 =	vld.idx.msk [tilespmem:v13+s9+$0x0], $0xffff  }
0x41: {  	v14 =	vld.idx.msk [tilespmem:v14+s9+$0x0], $0xffff  }
0x42: {  	v15 =	vld.idx.msk [tilespmem:v15+s9+$0x0], $0xffff  }
0x43: {  	v16 =	vld.idx.msk [tilespmem:v16+s9+$0x0], $0xffff  }
0x44: {  	v0 =	vld.idx.msk [tilespmem:v0+s9+$0x0], $0xffff  }
0x45: {  	v1 =	vld.idx.msk [tilespmem:v1+s9+$0x0], $0xffff  }
0x46: {  	v2 =	vld.idx.msk [tilespmem:v2+s9+$0x0], $0xffff  }
0x47: {  	v11 =	vld.idx.msk [tilespmem:v11+s9+$0x0], $0xffff  }
0x48: {  	v12 =	vld.idx.msk [tilespmem:v12+s9+$0x0], $0xffff;
	[tilespmem:s22+$0x8110] =	vst v5  }
0x49: {  	s7 =	sor.u32 s7, s7;
	v3 =	vld.idx.msk [tilespmem:v3+s9+$0x0], $0xffff;
	[tilespmem:s22+$0x8190] =	vst v8  }
0x4a: {  	s16 =	sor.u32 $0x380, s7;
	v4 =	vld.idx.msk [tilespmem:v4+s9+$0x0], $0xffff;
	[tilespmem:s22+$0x8210] =	vst v6  }
0x4b: {  	[tilespmem:s22+$0x8290] =	vst v7;
	v5 =	vld [tilespmem:s16+$0x0]  }
0x4c: {  	v6 =	vld [tilespmem:s22+$0x1000];
	[tilespmem:s14+$0x7000] =	vst v11  }
0x4d: {  	v8 =	vld [tilespmem:s22+$0x1080];
	[tilespmem:s15+$0x7000] =	vst v12  }
0x4e: {  	v7 =	vld [tilespmem:s22+$0x2210]  }
0x4f: {  	v11 =	vld [tilespmem:s22+$0x2290]  }
0x50: {  	[tilespmem:s22+$0x9090] =	vst v14;
	v14 =	vld [tilespmem:s22+$0x3010]  }
0x51: {  	[tilespmem:s22+$0x9110] =	vst v15;
	v15 =	vld [tilespmem:s22+$0x3090]  }
0x52: {  	[tilespmem:s22+$0x9190] =	vst v16;
	v16 =	vld [tilespmem:s22+$0x3110]  }
0x53: {  	v17 =	vld [tilespmem:s22+$0x3190]  }
0x54: {  	v18 =	vld [tilespmem:s22+$0x3210]  }
0x55: {  	s17 =	sor.u32 $0x2300, s31;
	[tilespmem:s22+$0x9010] =	vst v13;
	v19 =	vld [tilespmem:s22+$0x3290]  }
0x56: {  	s8 =	sor.u32 $0x2380, s31;
	v12 =	vld [tilespmem:s17+$0x0]  }
0x57: {  	v13 =	vld [tilespmem:s8+$0x0]  }
0x58: {  	v5 =	vld.idx.msk [tilespmem:v5+s9+$0x0], $0xffff  }
0x59: {  	v6 =	vld.idx.msk [tilespmem:v6+s9+$0x0], $0xffff  }
0x5a: {  	v8 =	vld.idx.msk [tilespmem:v8+s9+$0x0], $0xffff  }
0x5b: {  	v7 =	vld.idx.msk [tilespmem:v7+s9+$0x0], $0xffff  }
0x5c: {  	v11 =	vld.idx.msk [tilespmem:v11+s9+$0x0], $0xffff  }
0x5d: {  	v14 =	vld.idx.msk [tilespmem:v14+s9+$0x0], $0xffff  }
0x5e: {  	v15 =	vld.idx.msk [tilespmem:v15+s9+$0x0], $0xffff  }
0x5f: {  	v16 =	vld.idx.msk [tilespmem:v16+s9+$0x0], $0xffff  }
0x60: {  	v17 =	vld.idx.msk [tilespmem:v17+s9+$0x0], $0xffff  }
0x61: {  	v18 =	vld.idx.msk [tilespmem:v18+s9+$0x0], $0xffff  }
0x62: {  	v19 =	vld.idx.msk [tilespmem:v19+s9+$0x0], $0xffff  }
0x63: {  	v12 =	vld.idx.msk [tilespmem:v12+s9+$0x0], $0xffff  }
0x64: {  	v13 =	vld.idx.msk [tilespmem:v13+s9+$0x0], $0xffff;
	[tilespmem:s22+$0x9210] =	vst v7  }
0x65: {  	[tilespmem:s22+$0x9290] =	vst v11;
	v7 =	vld.idx.msk [tilespmem:v9+s9+$0x0], $0xffff  }
0x66: {  	v9 =	vld.idx.msk [tilespmem:v10+s9+$0x0], $0xffff;
	[tilespmem:s22+$0x7000] =	vst v2  }
0x67: {  	[tilespmem:s22+$0x7080] =	vst v3  }
0x68: {  	[tilespmem:s22+$0x7100] =	vst v4  }
0x69: {  	[tilespmem:s17+$0x7000] =	vst v12  }
0x6a: {  	[tilespmem:s4+$0x7000] =	vst v1  }
0x6b: {  	[tilespmem:s8+$0x7000] =	vst v13  }
0x6c: {  	[tilespmem:s22+$0xA010] =	vst v14  }
0x6d: {  	[tilespmem:s22+$0xA090] =	vst v15;
	v12 =	vld [tilespmem:s22+$0x4010]  }
0x6e: {  	[tilespmem:s22+$0xA110] =	vst v16;
	v13 =	vld [tilespmem:s22+$0x4090]  }
0x6f: {  	[tilespmem:s22+$0xA190] =	vst v17;
	v14 =	vld [tilespmem:s22+$0x4110]  }
0x70: {  	[tilespmem:s22+$0xA210] =	vst v18;
	v15 =	vld [tilespmem:s22+$0x4190]  }
0x71: {  	[tilespmem:s22+$0xA290] =	vst v19;
	v16 =	vld [tilespmem:s22+$0x4210]  }
0x72: {  	s18 =	sor.u32 $0x3300, s31;
	s19 =	sor.u32 $0x3380, s31;
	v17 =	vld [tilespmem:s22+$0x4290];
	[tilespmem:s22+$0x7200] =	vst v7  }
0x73: {  	s10 =	sor.u32 $0x4300, s31;
	s11 =	sor.u32 $0x4380, s31;
	s3 =	sor.u32 $0x5300, s31;
	v10 =	vld [tilespmem:s18+$0x0];
	[tilespmem:s22+$0x7280] =	vst v9  }
0x74: {  	s4 =	sor.u32 $0x5380, s31;
	s31 =	simm.s32 $0x100;
	v11 =	vld [tilespmem:s19+$0x0];
	[tilespmem:s13+$0x7000] =	vst v0;
	s13 =	simm.s32 $0x20  }
0x75: {  	v18 =	vld [tilespmem:s10+$0x0];
	s2 =	sor.u32 s13, s31  }
0x76: {  	v19 =	vld [tilespmem:s11+$0x0];
	s6 =	sand.u32 $0x60, s13;
	s13 =	sor.u32 $0x380, s2  }
0x77: {  	v58 =	vld [tilespmem:s13+$0x0]  }
0x78: {  	v4 =	vld.idx.msk [tilespmem:v12+s9+$0x0], $0xffff  }
0x79: {  	v1 =	vld.idx.msk [tilespmem:v13+s9+$0x0], $0xffff  }
0x7a: {  	v7 =	vld.idx.msk [tilespmem:v14+s9+$0x0], $0xffff  }
0x7b: {  	v9 =	vld.idx.msk [tilespmem:v15+s9+$0x0], $0xffff  }
0x7c: {  	v0 =	vld.idx.msk [tilespmem:v16+s9+$0x0], $0xffff  }
0x7d: {  	[tilespmem:s16+$0x7000] =	vst v5;
	v5 =	vld.idx.msk [tilespmem:v17+s9+$0x0], $0xffff  }
0x7e: {  	[tilespmem:s22+$0x8000] =	vst v6;
	v12 =	vld [tilespmem:s22+$0x1200]  }
0x7f: {  	s21 =	sor.u32 $0x1300, s0;
	[tilespmem:s22+$0x8080] =	vst v8;
	v13 =	vld [tilespmem:s22+$0x1280]  }
0x80: {  	s23 =	sor.u32 $0x1380, s7;
	v14 =	vld [tilespmem:s21+$0x0]  }
0x81: {  	v15 =	vld [tilespmem:s23+$0x0]  }
0x82: {  	v16 =	vld [tilespmem:s22+$0x2000]  }
0x83: {  	v17 =	vld [tilespmem:s22+$0x2080]  }
0x84: {  	v2 =	vld.idx.msk [tilespmem:v10+s9+$0x0], $0xffff  }
0x85: {  	v3 =	vld.idx.msk [tilespmem:v11+s9+$0x0], $0xffff  }
0x86: {  	v6 =	vld.idx.msk [tilespmem:v18+s9+$0x0], $0xffff  }
0x87: {  	v8 =	vld.idx.msk [tilespmem:v19+s9+$0x0], $0xffff  }
0x88: {  	s20 =	sor.u32 $0x1180, s1;
	v10 =	vld [tilespmem:s22+$0x1100]  }
0x89: {  	v11 =	vld [tilespmem:s20+$0x0]  }
0x8a: {  	s12 =	sor.u32 $0x2180, s1;
	v18 =	vld [tilespmem:s22+$0x2100];
	[tilespmem:s18+$0x7000] =	vst v2  }
0x8b: {  	v19 =	vld [tilespmem:s12+$0x0];
	[tilespmem:s19+$0x7000] =	vst v3  }
0x8c: {  	[tilespmem:s22+$0xB010] =	vst v4;
	v4 =	vld.idx.msk [tilespmem:v12+s9+$0x0], $0xffff  }
0x8d: {  	[tilespmem:s22+$0xB090] =	vst v1;
	v1 =	vld.idx.msk [tilespmem:v13+s9+$0x0], $0xffff  }
0x8e: {  	[tilespmem:s22+$0xB110] =	vst v7;
	v7 =	vld.idx.msk [tilespmem:v14+s9+$0x0], $0xffff  }
0x8f: {  	[tilespmem:s22+$0xB190] =	vst v9;
	v9 =	vld.idx.msk [tilespmem:v15+s9+$0x0], $0xffff  }
0x90: {  	[tilespmem:s22+$0xB210] =	vst v0;
	v0 =	vld.idx.msk [tilespmem:v16+s9+$0x0], $0xffff  }
0x91: {  	[tilespmem:s22+$0xB290] =	vst v5;
	v5 =	vld.idx.msk [tilespmem:v17+s9+$0x0], $0xffff  }
0x92: {  	v2 =	vld.idx.msk [tilespmem:v10+s9+$0x0], $0xffff  }
0x93: {  	v3 =	vld.idx.msk [tilespmem:v11+s9+$0x0], $0xffff  }
0x94: {  	[tilespmem:s10+$0x7000] =	vst v6;
	v6 =	vld.idx.msk [tilespmem:v18+s9+$0x0], $0xffff  }
0x95: {  	[tilespmem:s11+$0x7000] =	vst v8;
	v8 =	vld.idx.msk [tilespmem:v19+s9+$0x0], $0xffff  }
0x96: {  	v10 =	vld [tilespmem:s22+$0x5010]  }
0x97: {  	v11 =	vld [tilespmem:s3+$0x0]  }
0x98: {  	v12 =	vld [tilespmem:s22+$0x6010]  }
0x99: {  	v13 =	vld [tilespmem:s22+$0x6090];
	[tilespmem:s22+$0x8100] =	vst v2  }
0x9a: {  	v2 =	vld [tilespmem:s22+$0x5090];
	[tilespmem:s20+$0x7000] =	vst v3  }
0x9b: {  	v3 =	vld [tilespmem:s22+$0x5110];
	[tilespmem:s22+$0x8200] =	vst v4  }
0x9c: {  	v4 =	vld [tilespmem:s22+$0x5190];
	[tilespmem:s22+$0x8280] =	vst v1  }
0x9d: {  	v1 =	vld [tilespmem:s22+$0x5210];
	[tilespmem:s21+$0x7000] =	vst v7  }
0x9e: {  	s8 =	sand.u32 $0xC00, s31;
	v7 =	vld [tilespmem:s22+$0x5290];
	[tilespmem:s23+$0x7000] =	vst v9  }
0x9f: {  	s23 =	sor.u32 s6, s8;
	[tilespmem:s22+$0x9000] =	vst v0;
	v0 =	vld [tilespmem:s4+$0x0]  }
0xa0: {  	v49 =	vld [tilespmem:s23+$0x90]  }
0xa1: {  	v22 =	vld [tilespmem:s23+$0x110]  }
0xa2: {  	v23 =	vld [tilespmem:s23+$0x190]  }
0xa3: {  	v24 =	vld [tilespmem:s23+$0x210]  }
0xa4: {  	v25 =	vld [tilespmem:s23+$0x290]  }
0xa5: {  	v26 =	vld [tilespmem:s23+$0x1010]  }
0xa6: {  	v27 =	vld [tilespmem:s23+$0x1090]  }
0xa7: {  	v32 =	vld [tilespmem:s23+$0x0]  }
0xa8: {  	v55 =	vld [tilespmem:s23+$0x100]  }
0xa9: {  	v56 =	vld [tilespmem:s23+$0x200]  }
0xaa: {  	[tilespmem:s22+$0x9080] =	vst v5;
	v57 =	vld [tilespmem:s23+$0x280]  }
0xab: {  	[tilespmem:s22+$0x9100] =	vst v6;
	v59 =	vld [tilespmem:s23+$0x1000]  }
0xac: {  	v60 =	vld [tilespmem:s23+$0x1080];
	[tilespmem:s12+$0x7000] =	vst v8  }
0xad: {  	v5 =	vld [tilespmem:s22+$0x2200]  }
0xae: {  	s24 =	sor.u32 $0x2300, s0;
	v6 =	vld [tilespmem:s22+$0x2280]  }
0xaf: {  	s25 =	sor.u32 $0x2380, s7;
	v8 =	vld [tilespmem:s24+$0x0]  }
0xb0: {  	v9 =	vld [tilespmem:s25+$0x0]  }
0xb1: {  	v14 =	vld [tilespmem:s22+$0x3000]  }
0xb2: {  	v15 =	vld [tilespmem:s22+$0x3080]  }
0xb3: {  	s26 =	sor.u32 $0x3180, s1;
	v16 =	vld [tilespmem:s22+$0x3100]  }
0xb4: {  	v17 =	vld [tilespmem:s26+$0x0]  }
0xb5: {  	v18 =	vld [tilespmem:s22+$0x3200]  }
0xb6: {  	v19 =	vld [tilespmem:s22+$0x3280]  }
0xb7: {  	v22 =	vld.idx.msk [tilespmem:v22+s9+$0x0], $0xffff  }
0xb8: {  	v23 =	vld.idx.msk [tilespmem:v23+s9+$0x0], $0xffff  }
0xb9: {  	v24 =	vld.idx.msk [tilespmem:v24+s9+$0x0], $0xffff  }
0xba: {  	v25 =	vld.idx.msk [tilespmem:v25+s9+$0x0], $0xffff  }
0xbb: {  	v26 =	vld.idx.msk [tilespmem:v26+s9+$0x0], $0xffff  }
0xbc: {  	v27 =	vld.idx.msk [tilespmem:v27+s9+$0x0], $0xffff  }
0xbd: {  	v63 =	vld.idx.msk [tilespmem:v32+s9+$0x0], $0xffff  }
0xbe: {  	v5 =	vld.idx.msk [tilespmem:v5+s9+$0x0], $0xffff  }
0xbf: {  	v6 =	vld.idx.msk [tilespmem:v6+s9+$0x0], $0xffff  }
0xc0: {  	v20 =	vld.idx.msk [tilespmem:v8+s9+$0x0], $0xffff  }
0xc1: {  	v21 =	vld.idx.msk [tilespmem:v9+s9+$0x0], $0xffff  }
0xc2: {  	v14 =	vld.idx.msk [tilespmem:v14+s9+$0x0], $0xffff  }
0xc3: {  	v15 =	vld.idx.msk [tilespmem:v15+s9+$0x0], $0xffff  }
0xc4: {  	v16 =	vld.idx.msk [tilespmem:v16+s9+$0x0], $0xffff  }
0xc5: {  	v17 =	vld.idx.msk [tilespmem:v17+s9+$0x0], $0xffff  }
0xc6: {  	v18 =	vld.idx.msk [tilespmem:v18+s9+$0x0], $0xffff  }
0xc7: {  	v19 =	vld.idx.msk [tilespmem:v19+s9+$0x0], $0xffff  }
0xc8: {  	v9 =	vld.idx.msk [tilespmem:v10+s9+$0x0], $0xffff  }
0xc9: {  	v8 =	vld.idx.msk [tilespmem:v2+s9+$0x0], $0xffff  }
0xca: {  	v2 =	vld.idx.msk [tilespmem:v0+s9+$0x0], $0xffff  }
0xcb: {  	v0 =	vld.idx.msk [tilespmem:v12+s9+$0x0], $0xffff  }
0xcc: {  	[tilespmem:s22+$0x9280] =	vst v6;
	v6 =	vld.idx.msk [tilespmem:v3+s9+$0x0], $0xffff  }
0xcd: {  	[tilespmem:s22+$0x9200] =	vst v5;
	v5 =	vld.idx.msk [tilespmem:v4+s9+$0x0], $0xffff  }
0xce: {  	v3 =	vld.idx.msk [tilespmem:v1+s9+$0x0], $0xffff;
	[tilespmem:s24+$0x7000] =	vst v20  }
0xcf: {  	v4 =	vld.idx.msk [tilespmem:v7+s9+$0x0], $0xffff;
	[tilespmem:s25+$0x7000] =	vst v21  }
0xd0: {  	v1 =	vld.idx.msk [tilespmem:v11+s9+$0x0], $0xffff;
	[tilespmem:s22+$0xA000] =	vst v14  }
0xd1: {  	v7 =	vld.idx.msk [tilespmem:v13+s9+$0x0], $0xffff;
	[tilespmem:s22+$0xA080] =	vst v15  }
0xd2: {  	v20 =	vld [tilespmem:s23+$0x10];
	[tilespmem:s22+$0xA100] =	vst v16  }
0xd3: {  	v21 =	vld.idx.msk [tilespmem:v49+s9+$0x0], $0xffff;
	[tilespmem:s26+$0x7000] =	vst v17  }
0xd4: {  	v10 =	vld [tilespmem:s22+$0x4000]  }
0xd5: {  	v11 =	vld [tilespmem:s22+$0x4080]  }
0xd6: {  	v14 =	vld [tilespmem:s22+$0x4100]  }
0xd7: {  	s24 =	simm.s32 $0x1;
	[tilespmem:s22+$0xA200] =	vst v18;
	v16 =	vld [tilespmem:s22+$0x4200]  }
0xd8: {  	s16 =	sor.u32 $0x3300, s0;
	s10 =	sand.u32 $0x3, s24;
	[tilespmem:s22+$0xA280] =	vst v19;
	v17 =	vld [tilespmem:s22+$0x4280]  }
0xd9: {  	s15 =	sor.u32 $0x3380, s7;
	s5 =	sshll.u32 s10, $0x5;
	v12 =	vld [tilespmem:s16+$0x0]  }
0xda: {  	s14 =	sor.u32 $0x4180, s1;
	s20 =	sadd.s32 $0x100, s5;
	v13 =	vld [tilespmem:s15+$0x0]  }
0xdb: {  	s29 =	sor.u32 $0x4300, s0;
	s8 =	sadd.s32 $0x10, s20;
	v15 =	vld [tilespmem:s14+$0x0]  }
0xdc: {  	v18 =	vld [tilespmem:s29+$0x0];
	s17 =	sor.u32 $0x300, s8  }
0xdd: {  	s18 =	sor.u32 $0x380, s8;
	v28 =	vld [tilespmem:s17+$0x0]  }
0xde: {  	s30 =	sor.u32 $0x4380, s7;
	v29 =	vld [tilespmem:s18+$0x0]  }
0xdf: {  	v19 =	vld [tilespmem:s30+$0x0]  }
0xe0: {  	v20 =	vld.idx.msk [tilespmem:v20+s9+$0x0], $0xffff  }
0xe1: {  	v10 =	vld.idx.msk [tilespmem:v10+s9+$0x0], $0xffff  }
0xe2: {  	v11 =	vld.idx.msk [tilespmem:v11+s9+$0x0], $0xffff  }
0xe3: {  	v14 =	vld.idx.msk [tilespmem:v14+s9+$0x0], $0xffff  }
0xe4: {  	v16 =	vld.idx.msk [tilespmem:v16+s9+$0x0], $0xffff  }
0xe5: {  	v28 =	vld.idx.msk [tilespmem:v28+s9+$0x0], $0xffff  }
0xe6: {  	v29 =	vld.idx.msk [tilespmem:v29+s9+$0x0], $0xffff;
	[tilespmem:s23+$0x7010] =	vst v20  }
0xe7: {  	v17 =	vld.idx.msk [tilespmem:v17+s9+$0x0], $0xffff;
	[tilespmem:s23+$0x7090] =	vst v21  }
0xe8: {  	v12 =	vld.idx.msk [tilespmem:v12+s9+$0x0], $0xffff;
	[tilespmem:s23+$0x7110] =	vst v22  }
0xe9: {  	v13 =	vld.idx.msk [tilespmem:v13+s9+$0x0], $0xffff;
	[tilespmem:s23+$0x7190] =	vst v23  }
0xea: {  	v15 =	vld.idx.msk [tilespmem:v15+s9+$0x0], $0xffff;
	[tilespmem:s23+$0x7210] =	vst v24  }
0xeb: {  	v18 =	vld.idx.msk [tilespmem:v18+s9+$0x0], $0xffff;
	[tilespmem:s23+$0x7290] =	vst v25  }
0xec: {  	v19 =	vld.idx.msk [tilespmem:v19+s9+$0x0], $0xffff;
	[tilespmem:s17+$0x7000] =	vst v28;
	s17 =	sor.u32 $0x300, s20  }
0xed: {  	[tilespmem:s18+$0x7000] =	vst v29;
	v51 =	vld [tilespmem:s17+$0x0]  }
0xee: {  	s19 =	sand.u32 $0xFFFFFC00, s31;
	v20 =	vld [tilespmem:s23+$0x1110]  }
0xef: {  	s10 =	sadd.s32 $0x20, s19;
	v50 =	vld [tilespmem:s23+$0x1190]  }
0xf0: {  	s18 =	sor.u32 $0x180, s10;
	v52 =	vld [tilespmem:s23+$0x1210]  }
0xf1: {  	v53 =	vld [tilespmem:s18+$0x0]  }
0xf2: {  	v54 =	vld [tilespmem:s23+$0x1290]  }
0xf3: {  	v28 =	vld [tilespmem:s23+$0x2010]  }
0xf4: {  	v29 =	vld [tilespmem:s23+$0x2090]  }
0xf5: {  	[tilespmem:s23+$0x8010] =	vst v26;
	v30 =	vld [tilespmem:s23+$0x2110]  }
0xf6: {  	s21 =	sor.u32 $0x1300, s8;
	[tilespmem:s23+$0x8090] =	vst v27;
	v31 =	vld [tilespmem:s23+$0x2190]  }
0xf7: {  	s19 =	sor.u32 $0x1380, s8;
	v26 =	vld [tilespmem:s21+$0x0]  }
0xf8: {  	[tilespmem:s16+$0x7000] =	vst v12;
	v27 =	vld [tilespmem:s19+$0x0]  }
0xf9: {  	[tilespmem:s15+$0x7000] =	vst v13;
	v20 =	vld.idx.msk [tilespmem:v20+s9+$0x0], $0xffff  }
0xfa: {  	[tilespmem:s22+$0xB000] =	vst v10;
	v21 =	vld.idx.msk [tilespmem:v50+s9+$0x0], $0xffff  }
0xfb: {  	[tilespmem:s22+$0xB080] =	vst v11;
	v23 =	vld.idx.msk [tilespmem:v52+s9+$0x0], $0xffff  }
0xfc: {  	[tilespmem:s22+$0xB100] =	vst v14;
	v25 =	vld.idx.msk [tilespmem:v54+s9+$0x0], $0xffff  }
0xfd: {  	[tilespmem:s14+$0x7000] =	vst v15;
	v28 =	vld.idx.msk [tilespmem:v28+s9+$0x0], $0xffff  }
0xfe: {  	[tilespmem:s22+$0xB200] =	vst v16;
	v29 =	vld.idx.msk [tilespmem:v29+s9+$0x0], $0xffff  }
0xff: {  	[tilespmem:s22+$0xB280] =	vst v17;
	v30 =	vld.idx.msk [tilespmem:v30+s9+$0x0], $0xffff  }
0x100: {  	[tilespmem:s29+$0x7000] =	vst v18;
	v31 =	vld.idx.msk [tilespmem:v31+s9+$0x0], $0xffff  }
0x101: {  	[tilespmem:s30+$0x7000] =	vst v19;
	v26 =	vld.idx.msk [tilespmem:v26+s9+$0x0], $0xffff  }
0x102: {  	v27 =	vld.idx.msk [tilespmem:v27+s9+$0x0], $0xffff;
	[tilespmem:s23+$0x8110] =	vst v20  }
0x103: {  	v42 =	vld [tilespmem:s22+$0x5100];
	[tilespmem:s23+$0x8190] =	vst v21  }
0x104: {  	v22 =	vld.idx.msk [tilespmem:v51+s9+$0x0], $0xffff;
	[tilespmem:s23+$0x8210] =	vst v23  }
0x105: {  	v24 =	vld.idx.msk [tilespmem:v53+s9+$0x0], $0xffff;
	[tilespmem:s23+$0x8290] =	vst v25  }
0x106: {  	v54 =	vld [tilespmem:s22+$0x6000];
	[tilespmem:s21+$0x7000] =	vst v26  }
0x107: {  	v20 =	vld [tilespmem:s23+$0x80];
	[tilespmem:s19+$0x7000] =	vst v27  }
0x108: {  	v61 =	vld [tilespmem:s23+$0x2210]  }
0x109: {  	v62 =	vld [tilespmem:s23+$0x2290]  }
0x10a: {  	v34 =	vld [tilespmem:s23+$0x3010]  }
0x10b: {  	v35 =	vld [tilespmem:s23+$0x3090]  }
0x10c: {  	[tilespmem:s22+$0xC090] =	vst v8;
	v36 =	vld [tilespmem:s23+$0x3110]  }
0x10d: {  	[tilespmem:s23+$0x9010] =	vst v28;
	v37 =	vld [tilespmem:s23+$0x3190]  }
0x10e: {  	[tilespmem:s23+$0x9090] =	vst v29;
	v38 =	vld [tilespmem:s23+$0x3210]  }
0x10f: {  	[tilespmem:s23+$0x9110] =	vst v30;
	v39 =	vld [tilespmem:s23+$0x3290]  }
0x110: {  	s25 =	sor.u32 $0x2300, s8;
	[tilespmem:s23+$0x9190] =	vst v31;
	v8 =	vld.idx.msk [tilespmem:v54+s9+$0x0], $0xffff  }
0x111: {  	s26 =	sor.u32 $0x2380, s8;
	v31 =	vld [tilespmem:s25+$0x0]  }
0x112: {  	v33 =	vld [tilespmem:s26+$0x0]  }
0x113: {  	v12 =	vld.idx.msk [tilespmem:v61+s9+$0x0], $0xffff  }
0x114: {  	v13 =	vld.idx.msk [tilespmem:v62+s9+$0x0], $0xffff  }
0x115: {  	v14 =	vld.idx.msk [tilespmem:v34+s9+$0x0], $0xffff  }
0x116: {  	v15 =	vld.idx.msk [tilespmem:v35+s9+$0x0], $0xffff  }
0x117: {  	v16 =	vld.idx.msk [tilespmem:v36+s9+$0x0], $0xffff  }
0x118: {  	v17 =	vld.idx.msk [tilespmem:v37+s9+$0x0], $0xffff  }
0x119: {  	v18 =	vld.idx.msk [tilespmem:v38+s9+$0x0], $0xffff  }
0x11a: {  	v19 =	vld.idx.msk [tilespmem:v39+s9+$0x0], $0xffff  }
0x11b: {  	v10 =	vld.idx.msk [tilespmem:v31+s9+$0x0], $0xffff  }
0x11c: {  	v11 =	vld.idx.msk [tilespmem:v33+s9+$0x0], $0xffff  }
0x11d: {  	v33 =	vld.idx.msk [tilespmem:v57+s9+$0x0], $0xffff  }
0x11e: {  	[tilespmem:s23+$0x9210] =	vst v12;
	v12 =	vld.idx.msk [tilespmem:v20+s9+$0x0], $0xffff  }
0x11f: {  	[tilespmem:s23+$0x9290] =	vst v13;
	v13 =	vld.idx.msk [tilespmem:v55+s9+$0x0], $0xffff  }
0x120: {  	[tilespmem:s22+$0xC010] =	vst v9;
	v20 =	vld.idx.msk [tilespmem:v56+s9+$0x0], $0xffff  }
0x121: {  	[tilespmem:s25+$0x7000] =	vst v10;
	v10 =	vld [tilespmem:s22+$0x5000]  }
0x122: {  	[tilespmem:s26+$0x7000] =	vst v11;
	v11 =	vld [tilespmem:s22+$0x5080]  }
0x123: {  	[tilespmem:s23+$0xA010] =	vst v14;
	v14 =	vld.idx.msk [tilespmem:v58+s9+$0x0], $0xffff  }
0x124: {  	[tilespmem:s23+$0xA090] =	vst v15;
	v15 =	vld.idx.msk [tilespmem:v59+s9+$0x0], $0xffff  }
0x125: {  	[tilespmem:s23+$0xA110] =	vst v16;
	v16 =	vld.idx.msk [tilespmem:v60+s9+$0x0], $0xffff  }
0x126: {  	[tilespmem:s23+$0xA290] =	vst v19;
	v19 =	vld [tilespmem:s23+$0x4010]  }
0x127: {  	[tilespmem:s23+$0xA190] =	vst v17;
	v34 =	vld [tilespmem:s23+$0x4090]  }
0x128: {  	[tilespmem:s23+$0xA210] =	vst v18;
	v35 =	vld [tilespmem:s23+$0x4110]  }
0x129: {  	v36 =	vld [tilespmem:s23+$0x4190];
	[tilespmem:s23+$0x7000] =	vst v63  }
0x12a: {  	v37 =	vld [tilespmem:s23+$0x4210];
	[tilespmem:s23+$0x7080] =	vst v12  }
0x12b: {  	s29 =	sor.u32 $0x3300, s8;
	v38 =	vld [tilespmem:s23+$0x4290];
	[tilespmem:s23+$0x7100] =	vst v13  }
0x12c: {  	s30 =	sor.u32 $0x3380, s8;
	v17 =	vld [tilespmem:s29+$0x0];
	[tilespmem:s18+$0x7000] =	vst v24  }
0x12d: {  	s31 =	sor.u32 $0x4300, s8;
	v18 =	vld [tilespmem:s30+$0x0];
	[tilespmem:s23+$0x7200] =	vst v20  }
0x12e: {  	s6 =	sor.u32 $0x4380, s8;
	v39 =	vld [tilespmem:s31+$0x0];
	[tilespmem:s23+$0x7280] =	vst v33  }
0x12f: {  	v40 =	vld [tilespmem:s6+$0x0];
	[tilespmem:s17+$0x7000] =	vst v22  }
0x130: {  	[tilespmem:s13+$0x7000] =	vst v14;
	v9 =	vld.idx.msk [tilespmem:v10+s9+$0x0], $0xffff  }
0x131: {  	v43 =	vld [tilespmem:s23+$0x2000]  }
0x132: {  	v10 =	vld.idx.msk [tilespmem:v11+s9+$0x0], $0xffff  }
0x133: {  	v13 =	vld.idx.msk [tilespmem:v19+s9+$0x0], $0xffff  }
0x134: {  	v19 =	vld.idx.msk [tilespmem:v35+s9+$0x0], $0xffff  }
0x135: {  	v20 =	vld.idx.msk [tilespmem:v36+s9+$0x0], $0xffff  }
0x136: {  	v41 =	vld.idx.msk [tilespmem:v37+s9+$0x0], $0xffff  }
0x137: {  	v17 =	vld.idx.msk [tilespmem:v17+s9+$0x0], $0xffff  }
0x138: {  	v12 =	vld.idx.msk [tilespmem:v18+s9+$0x0], $0xffff  }
0x139: {  	v14 =	vld.idx.msk [tilespmem:v38+s9+$0x0], $0xffff  }
0x13a: {  	[tilespmem:s23+$0x8000] =	vst v15;
	v18 =	vld.idx.msk [tilespmem:v34+s9+$0x0], $0xffff  }
0x13b: {  	[tilespmem:s23+$0x8080] =	vst v16;
	v15 =	vld.idx.msk [tilespmem:v39+s9+$0x0], $0xffff  }
0x13c: {  	v16 =	vld.idx.msk [tilespmem:v40+s9+$0x0], $0xffff;
	[tilespmem:s29+$0x7000] =	vst v17  }
0x13d: {  	s15 =	sor.u32 $0x1180, s10;
	v17 =	vld [tilespmem:s23+$0x1100];
	[tilespmem:s30+$0x7000] =	vst v12  }
0x13e: {  	v12 =	vld [tilespmem:s15+$0x0];
	[tilespmem:s23+$0xB010] =	vst v13  }
0x13f: {  	v21 =	vld.idx.msk [tilespmem:v43+s9+$0x0], $0xffff;
	[tilespmem:s23+$0xB090] =	vst v18  }
0x140: {  	v13 =	vld [tilespmem:s23+$0x1200];
	[tilespmem:s23+$0xB110] =	vst v19  }
0x141: {  	s16 =	sor.u32 $0x1300, s20;
	v18 =	vld [tilespmem:s23+$0x1280];
	[tilespmem:s23+$0xB190] =	vst v20  }
0x142: {  	s17 =	sor.u32 $0x1380, s2;
	v19 =	vld [tilespmem:s16+$0x0];
	[tilespmem:s23+$0xB210] =	vst v41  }
0x143: {  	v20 =	vld [tilespmem:s17+$0x0];
	[tilespmem:s23+$0xB290] =	vst v14  }
0x144: {  	v14 =	vld [tilespmem:s23+$0x2080];
	[tilespmem:s31+$0x7000] =	vst v15  }
0x145: {  	v15 =	vld [tilespmem:s23+$0x2100];
	[tilespmem:s6+$0x7000] =	vst v16  }
0x146: {  	v16 =	vld [tilespmem:s23+$0x5010]  }
0x147: {  	v44 =	vld [tilespmem:s23+$0x5090]  }
0x148: {  	v45 =	vld [tilespmem:s23+$0x5110]  }
0x149: {  	v46 =	vld [tilespmem:s23+$0x5190]  }
0x14a: {  	v47 =	vld [tilespmem:s23+$0x5210]  }
0x14b: {  	s18 =	sor.u32 $0x5300, s8;
	v48 =	vld [tilespmem:s23+$0x5290]  }
0x14c: {  	s19 =	sor.u32 $0x5380, s8;
	v49 =	vld [tilespmem:s18+$0x0]  }
0x14d: {  	v50 =	vld [tilespmem:s19+$0x0]  }
0x14e: {  	v51 =	vld [tilespmem:s23+$0x6010]  }
0x14f: {  	v52 =	vld [tilespmem:s23+$0x6090]  }
0x150: {  	v17 =	vld.idx.msk [tilespmem:v17+s9+$0x0], $0xffff  }
0x151: {  	v12 =	vld.idx.msk [tilespmem:v12+s9+$0x0], $0xffff  }
0x152: {  	v13 =	vld.idx.msk [tilespmem:v13+s9+$0x0], $0xffff  }
0x153: {  	v18 =	vld.idx.msk [tilespmem:v18+s9+$0x0], $0xffff  }
0x154: {  	v19 =	vld.idx.msk [tilespmem:v19+s9+$0x0], $0xffff  }
0x155: {  	v20 =	vld.idx.msk [tilespmem:v20+s9+$0x0], $0xffff  }
0x156: {  	s21 =	sor.u32 $0x2180, s10;
	v53 =	vld.idx.msk [tilespmem:v16+s9+$0x0], $0xffff  }
0x157: {  	v16 =	vld [tilespmem:s21+$0x0]  }
0x158: {  	v14 =	vld.idx.msk [tilespmem:v14+s9+$0x0], $0xffff  }
0x159: {  	v15 =	vld.idx.msk [tilespmem:v15+s9+$0x0], $0xffff  }
0x15a: {  	v23 =	vld.idx.msk [tilespmem:v44+s9+$0x0], $0xffff  }
0x15b: {  	v24 =	vld.idx.msk [tilespmem:v45+s9+$0x0], $0xffff  }
0x15c: {  	v25 =	vld.idx.msk [tilespmem:v46+s9+$0x0], $0xffff  }
0x15d: {  	v26 =	vld.idx.msk [tilespmem:v47+s9+$0x0], $0xffff  }
0x15e: {  	v27 =	vld.idx.msk [tilespmem:v48+s9+$0x0], $0xffff  }
0x15f: {  	v16 =	vld.idx.msk [tilespmem:v16+s9+$0x0], $0xffff;
	[tilespmem:s23+$0x8100] =	vst v17  }
0x160: {  	v28 =	vld.idx.msk [tilespmem:v49+s9+$0x0], $0xffff;
	[tilespmem:s15+$0x7000] =	vst v12  }
0x161: {  	v29 =	vld.idx.msk [tilespmem:v50+s9+$0x0], $0xffff;
	[tilespmem:s23+$0x8200] =	vst v13  }
0x162: {  	v30 =	vld.idx.msk [tilespmem:v51+s9+$0x0], $0xffff;
	[tilespmem:s23+$0x8280] =	vst v18  }
0x163: {  	s6 =	sor.u32 $0x5180, s1;
	v31 =	vld.idx.msk [tilespmem:v52+s9+$0x0], $0xffff;
	[tilespmem:s16+$0x7000] =	vst v19  }
0x164: {  	v12 =	vld [tilespmem:s6+$0x0];
	[tilespmem:s17+$0x7000] =	vst v20  }
0x165: {  	v13 =	vld [tilespmem:s22+$0x5200];
	[tilespmem:s23+$0x9000] =	vst v21  }
0x166: {  	s26 =	sor.u32 $0x5300, s0;
	v18 =	vld [tilespmem:s22+$0x5280];
	[tilespmem:s23+$0x9080] =	vst v14  }
0x167: {  	s28 =	sor.u32 $0x5380, s7;
	v19 =	vld [tilespmem:s26+$0x0];
	[tilespmem:s23+$0x9100] =	vst v15  }
0x168: {  	v20 =	vld [tilespmem:s28+$0x0];
	[tilespmem:s21+$0x7000] =	vst v16  }
0x169: {  	v14 =	vld [tilespmem:s23+$0x2200]  }
0x16a: {  	s25 =	sor.u32 $0x2300, s20;
	v15 =	vld [tilespmem:s23+$0x2280]  }
0x16b: {  	s29 =	sor.u32 $0x2380, s2;
	v16 =	vld [tilespmem:s25+$0x0]  }
0x16c: {  	v17 =	vld [tilespmem:s29+$0x0]  }
0x16d: {  	v55 =	vld [tilespmem:s23+$0x3000]  }
0x16e: {  	v56 =	vld [tilespmem:s23+$0x3080]  }
0x16f: {  	s30 =	sor.u32 $0x3180, s10;
	v57 =	vld [tilespmem:s23+$0x3100]  }
0x170: {  	v58 =	vld [tilespmem:s30+$0x0]  }
0x171: {  	v59 =	vld [tilespmem:s23+$0x3200]  }
0x172: {  	v60 =	vld [tilespmem:s23+$0x3280]  }
0x173: {  	v14 =	vld.idx.msk [tilespmem:v14+s9+$0x0], $0xffff  }
0x174: {  	v15 =	vld.idx.msk [tilespmem:v15+s9+$0x0], $0xffff  }
0x175: {  	v16 =	vld.idx.msk [tilespmem:v16+s9+$0x0], $0xffff  }
0x176: {  	v61 =	vld.idx.msk [tilespmem:v17+s9+$0x0], $0xffff  }
0x177: {  	v33 =	vld.idx.msk [tilespmem:v55+s9+$0x0], $0xffff  }
0x178: {  	[tilespmem:s22+$0xC110] =	vst v6;
	v34 =	vld.idx.msk [tilespmem:v56+s9+$0x0], $0xffff  }
0x179: {  	[tilespmem:s22+$0xC190] =	vst v5;
	v35 =	vld.idx.msk [tilespmem:v57+s9+$0x0], $0xffff  }
0x17a: {  	[tilespmem:s22+$0xC210] =	vst v3;
	v36 =	vld.idx.msk [tilespmem:v58+s9+$0x0], $0xffff  }
0x17b: {  	[tilespmem:s22+$0xC290] =	vst v4;
	v37 =	vld.idx.msk [tilespmem:v59+s9+$0x0], $0xffff  }
0x17c: {  	v38 =	vld.idx.msk [tilespmem:v60+s9+$0x0], $0xffff;
	[tilespmem:s23+$0x9200] =	vst v14  }
0x17d: {  	v11 =	vld.idx.msk [tilespmem:v20+s9+$0x0], $0xffff;
	[tilespmem:s23+$0x9280] =	vst v15  }
0x17e: {  	v17 =	vld [tilespmem:s22+$0x6080];
	[tilespmem:s25+$0x7000] =	vst v16  }
0x17f: {  	v15 =	vld.idx.msk [tilespmem:v42+s9+$0x0], $0xffff;
	[tilespmem:s29+$0x7000] =	vst v61  }
0x180: {  	v14 =	vld.idx.msk [tilespmem:v19+s9+$0x0], $0xffff;
	[tilespmem:s23+$0xA000] =	vst v33  }
0x181: {  	v16 =	vld.idx.msk [tilespmem:v12+s9+$0x0], $0xffff;
	[tilespmem:s23+$0xA080] =	vst v34  }
0x182: {  	v12 =	vld.idx.msk [tilespmem:v13+s9+$0x0], $0xffff;
	[tilespmem:s23+$0xA100] =	vst v35  }
0x183: {  	v13 =	vld.idx.msk [tilespmem:v18+s9+$0x0], $0xffff;
	[tilespmem:s30+$0x7000] =	vst v36  }
0x184: {  	[tilespmem:s3+$0x7000] =	vst v1;
	v20 =	vld [tilespmem:s23+$0x4000]  }
0x185: {  	[tilespmem:s4+$0x7000] =	vst v2;
	v62 =	vld [tilespmem:s23+$0x4080]  }
0x186: {  	[tilespmem:s23+$0xA200] =	vst v37;
	v4 =	vld [tilespmem:s23+$0x4100]  }
0x187: {  	s17 =	sor.u32 $0x3300, s20;
	[tilespmem:s23+$0xA280] =	vst v38;
	v2 =	vld [tilespmem:s23+$0x4200]  }
0x188: {  	s8 =	sor.u32 $0x3380, s2;
	v5 =	vld [tilespmem:s17+$0x0]  }
0x189: {  	v3 =	vld [tilespmem:s8+$0x0]  }
0x18a: {  	[tilespmem:s22+$0xD090] =	vst v7;
	s0 =	sor.u32 $0x4180, s10;
	v63 =	vld [tilespmem:s23+$0x4280]  }
0x18b: {  	[tilespmem:s22+$0xD010] =	vst v0;
	s1 =	sor.u32 $0x4300, s20;
	v1 =	vld [tilespmem:s0+$0x0]  }
0x18c: {  	s7 =	sor.u32 $0x4380, s2;
	[tilespmem:s23+$0xC010] =	vst v53;
	v0 =	vld [tilespmem:s1+$0x0]  }
0x18d: {  	[tilespmem:s23+$0xC090] =	vst v23;
	v7 =	vld [tilespmem:s7+$0x0]  }
0x18e: {  	[tilespmem:s23+$0xC110] =	vst v24;
	v6 =	vld.idx.msk [tilespmem:v20+s9+$0x0], $0xffff  }
0x18f: {  	[tilespmem:s23+$0xC190] =	vst v25;
	v4 =	vld.idx.msk [tilespmem:v4+s9+$0x0], $0xffff  }
0x190: {  	[tilespmem:s23+$0xC210] =	vst v26;
	v19 =	vld.idx.msk [tilespmem:v5+s9+$0x0], $0xffff  }
0x191: {  	[tilespmem:s23+$0xC290] =	vst v27;
	v18 =	vld.idx.msk [tilespmem:v3+s9+$0x0], $0xffff  }
0x192: {  	[tilespmem:s18+$0x7000] =	vst v28;
	v5 =	vld.idx.msk [tilespmem:v62+s9+$0x0], $0xffff  }
0x193: {  	s31 =	sor.u32 $0x5180, s10;
	[tilespmem:s19+$0x7000] =	vst v29;
	v3 =	vld.idx.msk [tilespmem:v1+s9+$0x0], $0xffff  }
0x194: {  	v1 =	vld.idx.msk [tilespmem:v2+s9+$0x0], $0xffff;
	[dreg:$0x4] =	wrdreg s31  }
0x195: {  	s14 =	simm.s32 $0x2;
	s15 =	simm.s32 $0x200;
	[tilespmem:s23+$0xD090] =	vst v31;
	v2 =	vld.idx.msk [tilespmem:v63+s9+$0x0], $0xffff  }
0x196: {  	s16 =	simm.s32 $0x40;
	s20 =	sor.u32 $0x5300, s20;
	s25 =	sor.u32 $0x5380, s2;
	[tilespmem:s23+$0xD010] =	vst v30;
	v0 =	vld.idx.msk [tilespmem:v0+s9+$0x0], $0xffff  }
.LBB2_2:
0x197: {  	s2 =	sand.u32 $0xFFFFFC00, s15;
	s3 =	sand.u32 $0x60, s16;
	s4 =	sand.u32 $0xC00, s15  }
0x198: {  	s10 =	sor.u32 s16, s15;
	s24 =	sadd.s32 $0x1, s24;
	s13 =	sor.u32 s3, s4;
	v7 =	vld.idx.msk [tilespmem:v7+s9+$0x0], $0xffff;
	[tilespmem:s17+$0x7000] =	vst v19  }
0x199: {  	s5 =	sadd.s32 s2, s16;
	s2 =	sor.u32 $0x380, s10;
	s4 =	sor.u32 $0x1380, s10;
	[tilespmem:s8+$0x7000] =	vst v18;
	v18 =	vld [tilespmem:s13+$0x10]  }
0x19a: {  	s11 =	sor.u32 $0x2380, s10;
	s12 =	sand.u32 $0x3, s24;
	s18 =	sor.u32 $0x4380, s10;
	v17 =	vld.idx.msk [tilespmem:v17+s9+$0x0], $0xffff  }
0x19b: {  	s21 =	sor.u32 $0x180, s5;
	s3 =	sor.u32 $0x1180, s5;
	s30 =	sor.u32 $0x2180, s5;
	[tilespmem:s23+$0xB000] =	vst v6;
	v6 =	vld [tilespmem:s13+$0x90]  }
0x19c: {  	s31 =	sor.u32 $0x3180, s5;
	[dreg:$0x6] =	wrdreg s11;
	s11 =	sor.u32 $0x4180, s5;
	[tilespmem:s23+$0xB080] =	vst v5;
	v5 =	vld [tilespmem:s13+$0x110]  }
0x19d: {  	s12 =	sshll.u32 s12, $0x5;
	s19 =	sor.u32 $0x5180, s5;
	[dreg:$0x8] =	wrdreg s30;
	[tilespmem:s23+$0xB100] =	vst v4;
	v4 =	vld [tilespmem:s13+$0x190]  }
0x19e: {  	[dreg:$0x5] =	wrdreg s31;
	s30 =	sor.u32 $0x5380, s10;
	s29 =	sadd.s32 s12, s15;
	[tilespmem:s0+$0x7000] =	vst v3;
	v3 =	vld [tilespmem:s13+$0x210]  }
0x19f: {  	s12 =	sor.u32 $0x300, s29;
	s17 =	sor.u32 $0x2300, s29;
	s31 =	sor.u32 $0x5300, s29;
	[tilespmem:s23+$0xB200] =	vst v1;
	v1 =	vld [tilespmem:s13+$0x290]  }
0x1a0: {  	s8 =	sor.u32 $0x3380, s10;
	s10 =	sadd.s32 $0x10, s29;
	[dreg:$0x7] =	wrdreg s17;
	[tilespmem:s23+$0xB280] =	vst v2;
	v2 =	vld [tilespmem:s13+$0x1010]  }
0x1a1: {  	s17 =	sor.u32 $0x3300, s29;
	s5 =	sor.u32 $0x300, s10;
	s0 =	smov.u32 s11;
	[tilespmem:s1+$0x7000] =	vst v0;
	v0 =	vld [tilespmem:s13+$0x1090]  }
0x1a2: {  	s11 =	sor.u32 $0x1300, s29;
	s1 =	sor.u32 $0x4300, s29;
	s29 =	sor.u32 $0x380, s10;
	[tilespmem:s7+$0x7000] =	vst v7;
	v7 =	vld [tilespmem:s5+$0x0]  }
0x1a3: {  	[tilespmem:s22+$0xC000] =	vst v9;
	v9 =	vld [tilespmem:s29+$0x0]  }
0x1a4: {  	[tilespmem:s22+$0xC080] =	vst v10;
	v10 =	vld.idx.msk [tilespmem:v18+s9+$0x0], $0xffff  }
0x1a5: {  	[tilespmem:s22+$0xC100] =	vst v15;
	v6 =	vld.idx.msk [tilespmem:v6+s9+$0x0], $0xffff  }
0x1a6: {  	[tilespmem:s6+$0x7000] =	vst v16;
	v5 =	vld.idx.msk [tilespmem:v5+s9+$0x0], $0xffff  }
0x1a7: {  	[tilespmem:s22+$0xC200] =	vst v12;
	v4 =	vld.idx.msk [tilespmem:v4+s9+$0x0], $0xffff  }
0x1a8: {  	[tilespmem:s22+$0xC280] =	vst v13;
	v3 =	vld.idx.msk [tilespmem:v3+s9+$0x0], $0xffff  }
0x1a9: {  	[tilespmem:s26+$0x7000] =	vst v14;
	v1 =	vld.idx.msk [tilespmem:v1+s9+$0x0], $0xffff  }
0x1aa: {  	[tilespmem:s28+$0x7000] =	vst v11;
	v2 =	vld.idx.msk [tilespmem:v2+s9+$0x0], $0xffff  }
0x1ab: {  	[tilespmem:s22+$0xD000] =	vst v8;
	v0 =	vld.idx.msk [tilespmem:v0+s9+$0x0], $0xffff  }
0x1ac: {  	[tilespmem:s22+$0xD080] =	vst v17;
	s22 =	smov.u32 s23;
	s23 =	smov.u32 s13;
	v7 =	vld.idx.msk [tilespmem:v7+s9+$0x0], $0xffff  }
0x1ad: {  	v8 =	vld.idx.msk [tilespmem:v9+s9+$0x0], $0xffff;
	[tilespmem:s23+$0x7010] =	vst v10  }
0x1ae: {  	v9 =	vld [tilespmem:s12+$0x0];
	[tilespmem:s23+$0x7090] =	vst v6  }
0x1af: {  	v6 =	vld [tilespmem:s21+$0x0];
	[tilespmem:s23+$0x7110] =	vst v5  }
0x1b0: {  	v5 =	vld [tilespmem:s23+$0x0];
	[tilespmem:s23+$0x7190] =	vst v4  }
0x1b1: {  	v4 =	vld [tilespmem:s23+$0x80];
	[tilespmem:s23+$0x7210] =	vst v3  }
0x1b2: {  	v3 =	vld [tilespmem:s23+$0x100];
	[tilespmem:s23+$0x7290] =	vst v1  }
0x1b3: {  	v1 =	vld [tilespmem:s23+$0x200];
	[tilespmem:s5+$0x7000] =	vst v7  }
0x1b4: {  	v7 =	vld [tilespmem:s23+$0x280];
	[tilespmem:s29+$0x7000] =	vst v8  }
0x1b5: {  	v8 =	vld [tilespmem:s23+$0x1110]  }
0x1b6: {  	v10 =	vld [tilespmem:s23+$0x1190]  }
0x1b7: {  	[tilespmem:s23+$0x8010] =	vst v2;
	v2 =	vld [tilespmem:s23+$0x1210]  }
0x1b8: {  	[tilespmem:s23+$0x8090] =	vst v0;
	v0 =	vld [tilespmem:s23+$0x1290]  }
0x1b9: {  	v13 =	vld [tilespmem:s23+$0x2010]  }
0x1ba: {  	v14 =	vld [tilespmem:s23+$0x2090]  }
0x1bb: {  	v15 =	vld [tilespmem:s23+$0x2110]  }
0x1bc: {  	s28 =	smov.u32 s25;
	s25 =	smov.u32 s30;
	s30 =	sor.u32 $0x1300, s10;
	v16 =	vld [tilespmem:s23+$0x2190]  }
0x1bd: {  	s26 =	smov.u32 s20;
	s20 =	smov.u32 s31;
	s31 =	sor.u32 $0x1380, s10;
	v11 =	vld [tilespmem:s30+$0x0]  }
0x1be: {  	v12 =	vld [tilespmem:s31+$0x0]  }
0x1bf: {  	v9 =	vld.idx.msk [tilespmem:v9+s9+$0x0], $0xffff  }
0x1c0: {  	v6 =	vld.idx.msk [tilespmem:v6+s9+$0x0], $0xffff  }
0x1c1: {  	v5 =	vld.idx.msk [tilespmem:v5+s9+$0x0], $0xffff  }
0x1c2: {  	v4 =	vld.idx.msk [tilespmem:v4+s9+$0x0], $0xffff  }
0x1c3: {  	v8 =	vld.idx.msk [tilespmem:v8+s9+$0x0], $0xffff  }
0x1c4: {  	v10 =	vld.idx.msk [tilespmem:v10+s9+$0x0], $0xffff  }
0x1c5: {  	v2 =	vld.idx.msk [tilespmem:v2+s9+$0x0], $0xffff  }
0x1c6: {  	v0 =	vld.idx.msk [tilespmem:v0+s9+$0x0], $0xffff  }
0x1c7: {  	v13 =	vld.idx.msk [tilespmem:v13+s9+$0x0], $0xffff  }
0x1c8: {  	v14 =	vld.idx.msk [tilespmem:v14+s9+$0x0], $0xffff  }
0x1c9: {  	v15 =	vld.idx.msk [tilespmem:v15+s9+$0x0], $0xffff  }
0x1ca: {  	v16 =	vld.idx.msk [tilespmem:v16+s9+$0x0], $0xffff  }
0x1cb: {  	v11 =	vld.idx.msk [tilespmem:v11+s9+$0x0], $0xffff  }
0x1cc: {  	v12 =	vld.idx.msk [tilespmem:v12+s9+$0x0], $0xffff;
	[tilespmem:s23+$0x8110] =	vst v8  }
0x1cd: {  	v3 =	vld.idx.msk [tilespmem:v3+s9+$0x0], $0xffff;
	[tilespmem:s23+$0x8190] =	vst v10  }
0x1ce: {  	v7 =	vld.idx.msk [tilespmem:v7+s9+$0x0], $0xffff;
	[tilespmem:s23+$0x8210] =	vst v2  }
0x1cf: {  	v8 =	vld [tilespmem:s2+$0x0];
	[tilespmem:s23+$0x8290] =	vst v0  }
0x1d0: {  	v10 =	vld [tilespmem:s23+$0x1000];
	[tilespmem:s30+$0x7000] =	vst v11  }
0x1d1: {  	v2 =	vld [tilespmem:s23+$0x1080];
	[tilespmem:s31+$0x7000] =	vst v12  }
0x1d2: {  	v0 =	vld [tilespmem:s23+$0x2210]  }
0x1d3: {  	v11 =	vld [tilespmem:s23+$0x2290]  }
0x1d4: {  	[tilespmem:s23+$0x9090] =	vst v14;
	v14 =	vld [tilespmem:s23+$0x3010]  }
0x1d5: {  	[tilespmem:s23+$0x9110] =	vst v15;
	v15 =	vld [tilespmem:s23+$0x3090]  }
0x1d6: {  	[tilespmem:s23+$0x9190] =	vst v16;
	v16 =	vld [tilespmem:s23+$0x3110]  }
0x1d7: {  	v17 =	vld [tilespmem:s23+$0x3190]  }
0x1d8: {  	s7 =	smov.u32 s18;
	s18 =	rddreg [dreg:$0x4];
	v18 =	vld [tilespmem:s23+$0x3210]  }
0x1d9: {  	s6 =	smov.u32 s18;
	s18 =	smov.u32 s19;
	s13 =	sor.u32 $0x2300, s10;
	[tilespmem:s23+$0x9010] =	vst v13;
	v19 =	vld [tilespmem:s23+$0x3290]  }
0x1da: {  	[dreg:$0x4] =	wrdreg s18;
	s18 =	sor.u32 $0x2380, s10;
	v12 =	vld [tilespmem:s13+$0x0]  }
0x1db: {  	v13 =	vld [tilespmem:s18+$0x0]  }
0x1dc: {  	v8 =	vld.idx.msk [tilespmem:v8+s9+$0x0], $0xffff  }
0x1dd: {  	v10 =	vld.idx.msk [tilespmem:v10+s9+$0x0], $0xffff  }
0x1de: {  	v0 =	vld.idx.msk [tilespmem:v0+s9+$0x0], $0xffff  }
0x1df: {  	v11 =	vld.idx.msk [tilespmem:v11+s9+$0x0], $0xffff  }
0x1e0: {  	v14 =	vld.idx.msk [tilespmem:v14+s9+$0x0], $0xffff  }
0x1e1: {  	v15 =	vld.idx.msk [tilespmem:v15+s9+$0x0], $0xffff  }
0x1e2: {  	v16 =	vld.idx.msk [tilespmem:v16+s9+$0x0], $0xffff  }
0x1e3: {  	v17 =	vld.idx.msk [tilespmem:v17+s9+$0x0], $0xffff  }
0x1e4: {  	v18 =	vld.idx.msk [tilespmem:v18+s9+$0x0], $0xffff  }
0x1e5: {  	v19 =	vld.idx.msk [tilespmem:v19+s9+$0x0], $0xffff  }
0x1e6: {  	v12 =	vld.idx.msk [tilespmem:v12+s9+$0x0], $0xffff  }
0x1e7: {  	v13 =	vld.idx.msk [tilespmem:v13+s9+$0x0], $0xffff  }
0x1e8: {  	[tilespmem:s23+$0x9290] =	vst v11;
	v11 =	vld.idx.msk [tilespmem:v1+s9+$0x0], $0xffff  }
0x1e9: {  	v1 =	vld [tilespmem:s22+$0x5000]  }
0x1ea: {  	[tilespmem:s23+$0x9210] =	vst v0;
	v0 =	vld [tilespmem:s22+$0x5100]  }
0x1eb: {  	[tilespmem:s13+$0x7000] =	vst v12;
	v12 =	vld.idx.msk [tilespmem:v2+s9+$0x0], $0xffff  }
0x1ec: {  	v2 =	vld [tilespmem:s22+$0x5080];
	[tilespmem:s23+$0x7000] =	vst v5  }
0x1ed: {  	[tilespmem:s23+$0x7080] =	vst v4  }
0x1ee: {  	[tilespmem:s23+$0x7100] =	vst v3  }
0x1ef: {  	[tilespmem:s18+$0x7000] =	vst v13  }
0x1f0: {  	[tilespmem:s21+$0x7000] =	vst v6  }
0x1f1: {  	[tilespmem:s23+$0xA010] =	vst v14  }
0x1f2: {  	[tilespmem:s23+$0xA090] =	vst v15  }
0x1f3: {  	[tilespmem:s23+$0xA110] =	vst v16  }
0x1f4: {  	[tilespmem:s23+$0xA190] =	vst v17  }
0x1f5: {  	[tilespmem:s23+$0xA210] =	vst v18;
	v3 =	vld [tilespmem:s23+$0x4010]  }
0x1f6: {  	[tilespmem:s23+$0xA290] =	vst v19;
	v6 =	vld [tilespmem:s23+$0x4090]  }
0x1f7: {  	s19 =	sor.u32 $0x3300, s10;
	[tilespmem:s23+$0x7280] =	vst v7;
	v7 =	vld [tilespmem:s23+$0x4190]  }
0x1f8: {  	s29 =	sor.u32 $0x3380, s10;
	v5 =	vld [tilespmem:s19+$0x0]  }
0x1f9: {  	v4 =	vld [tilespmem:s29+$0x0]  }
0x1fa: {  	[tilespmem:s23+$0x7200] =	vst v11;
	v11 =	vld [tilespmem:s23+$0x4110]  }
0x1fb: {  	[tilespmem:s12+$0x7000] =	vst v9;
	v9 =	vld [tilespmem:s23+$0x4210]  }
0x1fc: {  	s30 =	sor.u32 $0x4300, s10;
	[tilespmem:s2+$0x7000] =	vst v8;
	v8 =	vld [tilespmem:s23+$0x4290]  }
0x1fd: {  	s31 =	sor.u32 $0x4380, s10;
	[tilespmem:s23+$0x8000] =	vst v10;
	v10 =	vld [tilespmem:s30+$0x0]  }
0x1fe: {  	[tilespmem:s23+$0x8080] =	vst v12;
	v12 =	vld [tilespmem:s31+$0x0]  }
0x1ff: {  	v3 =	vld.idx.msk [tilespmem:v3+s9+$0x0], $0xffff  }
0x200: {  	v6 =	vld.idx.msk [tilespmem:v6+s9+$0x0], $0xffff  }
0x201: {  	v7 =	vld.idx.msk [tilespmem:v7+s9+$0x0], $0xffff  }
0x202: {  	v5 =	vld.idx.msk [tilespmem:v5+s9+$0x0], $0xffff  }
0x203: {  	v4 =	vld.idx.msk [tilespmem:v4+s9+$0x0], $0xffff  }
0x204: {  	v11 =	vld.idx.msk [tilespmem:v11+s9+$0x0], $0xffff  }
0x205: {  	v9 =	vld.idx.msk [tilespmem:v9+s9+$0x0], $0xffff  }
0x206: {  	v8 =	vld.idx.msk [tilespmem:v8+s9+$0x0], $0xffff  }
0x207: {  	v10 =	vld.idx.msk [tilespmem:v10+s9+$0x0], $0xffff  }
0x208: {  	v12 =	vld.idx.msk [tilespmem:v12+s9+$0x0], $0xffff;
	[tilespmem:s19+$0x7000] =	vst v5  }
0x209: {  	v5 =	vld [tilespmem:s23+$0x1100];
	[tilespmem:s29+$0x7000] =	vst v4  }
0x20a: {  	v4 =	vld [tilespmem:s3+$0x0];
	[tilespmem:s23+$0xB010] =	vst v3  }
0x20b: {  	v3 =	vld [tilespmem:s23+$0x1200];
	[tilespmem:s23+$0xB090] =	vst v6  }
0x20c: {  	v6 =	vld [tilespmem:s23+$0x1280];
	[tilespmem:s23+$0xB110] =	vst v11  }
0x20d: {  	v11 =	vld [tilespmem:s11+$0x0];
	[tilespmem:s23+$0xB190] =	vst v7  }
0x20e: {  	v7 =	vld [tilespmem:s4+$0x0];
	[tilespmem:s23+$0xB210] =	vst v9  }
0x20f: {  	v9 =	vld [tilespmem:s23+$0x2000];
	[tilespmem:s23+$0xB290] =	vst v8  }
0x210: {  	v8 =	vld [tilespmem:s23+$0x2080];
	[tilespmem:s30+$0x7000] =	vst v10  }
0x211: {  	v10 =	vld [tilespmem:s23+$0x2100];
	[tilespmem:s31+$0x7000] =	vst v12  }
0x212: {  	v12 =	vld [tilespmem:s23+$0x5010]  }
0x213: {  	v13 =	vld [tilespmem:s23+$0x5090]  }
0x214: {  	v14 =	vld [tilespmem:s23+$0x5110]  }
0x215: {  	v15 =	vld [tilespmem:s23+$0x5190]  }
0x216: {  	v16 =	vld [tilespmem:s23+$0x5210]  }
0x217: {  	s18 =	sor.u32 $0x5300, s10;
	v17 =	vld [tilespmem:s23+$0x5290]  }
0x218: {  	s19 =	sor.u32 $0x5380, s10;
	v18 =	vld [tilespmem:s18+$0x0]  }
0x219: {  	v19 =	vld [tilespmem:s19+$0x0]  }
0x21a: {  	v20 =	vld [tilespmem:s23+$0x6010]  }
0x21b: {  	v21 =	vld [tilespmem:s23+$0x6090]  }
0x21c: {  	v5 =	vld.idx.msk [tilespmem:v5+s9+$0x0], $0xffff  }
0x21d: {  	v4 =	vld.idx.msk [tilespmem:v4+s9+$0x0], $0xffff  }
0x21e: {  	v12 =	vld.idx.msk [tilespmem:v12+s9+$0x0], $0xffff  }
0x21f: {  	v13 =	vld.idx.msk [tilespmem:v13+s9+$0x0], $0xffff  }
0x220: {  	v14 =	vld.idx.msk [tilespmem:v14+s9+$0x0], $0xffff  }
0x221: {  	v15 =	vld.idx.msk [tilespmem:v15+s9+$0x0], $0xffff  }
0x222: {  	v16 =	vld.idx.msk [tilespmem:v16+s9+$0x0], $0xffff  }
0x223: {  	v17 =	vld.idx.msk [tilespmem:v17+s9+$0x0], $0xffff  }
0x224: {  	v18 =	vld.idx.msk [tilespmem:v18+s9+$0x0], $0xffff  }
0x225: {  	v19 =	vld.idx.msk [tilespmem:v19+s9+$0x0], $0xffff  }
0x226: {  	v20 =	vld.idx.msk [tilespmem:v20+s9+$0x0], $0xffff  }
0x227: {  	s21 =	rddreg [dreg:$0x8];
	v21 =	vld.idx.msk [tilespmem:v21+s9+$0x0], $0xffff  }
0x228: {  	[tilespmem:s23+$0xC010] =	vst v12;
	v12 =	vld [tilespmem:s21+$0x0]  }
0x229: {  	v3 =	vld.idx.msk [tilespmem:v3+s9+$0x0], $0xffff  }
0x22a: {  	v6 =	vld.idx.msk [tilespmem:v6+s9+$0x0], $0xffff;
	[tilespmem:s23+$0xC090] =	vst v13  }
0x22b: {  	v11 =	vld.idx.msk [tilespmem:v11+s9+$0x0], $0xffff;
	[tilespmem:s23+$0xC110] =	vst v14  }
0x22c: {  	v7 =	vld.idx.msk [tilespmem:v7+s9+$0x0], $0xffff;
	[tilespmem:s23+$0xC190] =	vst v15  }
0x22d: {  	v9 =	vld.idx.msk [tilespmem:v9+s9+$0x0], $0xffff;
	[tilespmem:s23+$0xC210] =	vst v16  }
0x22e: {  	v8 =	vld.idx.msk [tilespmem:v8+s9+$0x0], $0xffff;
	[tilespmem:s23+$0xC290] =	vst v17  }
0x22f: {  	v10 =	vld.idx.msk [tilespmem:v10+s9+$0x0], $0xffff;
	[tilespmem:s18+$0x7000] =	vst v18  }
0x230: {  	v12 =	vld.idx.msk [tilespmem:v12+s9+$0x0], $0xffff;
	[tilespmem:s23+$0x8100] =	vst v5  }
0x231: {  	[tilespmem:s3+$0x7000] =	vst v4  }
0x232: {  	v4 =	vld [tilespmem:s6+$0x0];
	[tilespmem:s23+$0x8200] =	vst v3  }
0x233: {  	v3 =	vld [tilespmem:s22+$0x5200];
	[tilespmem:s23+$0x8280] =	vst v6  }
0x234: {  	v5 =	vld [tilespmem:s22+$0x5280];
	[tilespmem:s11+$0x7000] =	vst v11  }
0x235: {  	v6 =	vld [tilespmem:s26+$0x0];
	[tilespmem:s4+$0x7000] =	vst v7  }
0x236: {  	v7 =	vld [tilespmem:s28+$0x0];
	[tilespmem:s23+$0x9000] =	vst v9  }
0x237: {  	v18 =	vld [tilespmem:s22+$0x6000];
	[tilespmem:s23+$0x9080] =	vst v8  }
0x238: {  	v17 =	vld [tilespmem:s22+$0x6080];
	[tilespmem:s23+$0x9100] =	vst v10  }
0x239: {  	v9 =	vld.idx.msk [tilespmem:v1+s9+$0x0], $0xffff;
	[tilespmem:s21+$0x7000] =	vst v12  }
0x23a: {  	v10 =	vld.idx.msk [tilespmem:v2+s9+$0x0], $0xffff  }
0x23b: {  	v1 =	vld [tilespmem:s23+$0x2200]  }
0x23c: {  	s29 =	rddreg [dreg:$0x7];
	v2 =	vld [tilespmem:s23+$0x2280]  }
0x23d: {  	s30 =	rddreg [dreg:$0x6];
	v8 =	vld [tilespmem:s29+$0x0]  }
0x23e: {  	v11 =	vld [tilespmem:s30+$0x0]  }
0x23f: {  	v12 =	vld [tilespmem:s23+$0x3000]  }
0x240: {  	v13 =	vld [tilespmem:s23+$0x3080]  }
0x241: {  	s31 =	rddreg [dreg:$0x5];
	v14 =	vld [tilespmem:s23+$0x3100]  }
0x242: {  	v15 =	vld [tilespmem:s31+$0x0]  }
0x243: {  	v16 =	vld [tilespmem:s23+$0x3200]  }
0x244: {  	[tilespmem:s19+$0x7000] =	vst v19;
	v19 =	vld [tilespmem:s23+$0x3280]  }
0x245: {  	v1 =	vld.idx.msk [tilespmem:v1+s9+$0x0], $0xffff  }
0x246: {  	v2 =	vld.idx.msk [tilespmem:v2+s9+$0x0], $0xffff  }
0x247: {  	v8 =	vld.idx.msk [tilespmem:v8+s9+$0x0], $0xffff  }
0x248: {  	v11 =	vld.idx.msk [tilespmem:v11+s9+$0x0], $0xffff  }
0x249: {  	[tilespmem:s23+$0xD010] =	vst v20;
	v20 =	vld.idx.msk [tilespmem:v12+s9+$0x0], $0xffff  }
0x24a: {  	v61 =	vld.idx.msk [tilespmem:v13+s9+$0x0], $0xffff  }
0x24b: {  	v22 =	vld.idx.msk [tilespmem:v14+s9+$0x0], $0xffff  }
0x24c: {  	v23 =	vld.idx.msk [tilespmem:v15+s9+$0x0], $0xffff  }
0x24d: {  	v24 =	vld.idx.msk [tilespmem:v16+s9+$0x0], $0xffff  }
0x24e: {  	v19 =	vld.idx.msk [tilespmem:v19+s9+$0x0], $0xffff;
	[tilespmem:s23+$0x9200] =	vst v1  }
0x24f: {  	[tilespmem:s23+$0x9280] =	vst v2  }
0x250: {  	v15 =	vld.idx.msk [tilespmem:v0+s9+$0x0], $0xffff;
	[tilespmem:s29+$0x7000] =	vst v8  }
0x251: {  	v16 =	vld.idx.msk [tilespmem:v4+s9+$0x0], $0xffff;
	[tilespmem:s30+$0x7000] =	vst v11  }
0x252: {  	v12 =	vld.idx.msk [tilespmem:v3+s9+$0x0], $0xffff;
	[tilespmem:s23+$0xA000] =	vst v20  }
0x253: {  	v13 =	vld.idx.msk [tilespmem:v5+s9+$0x0], $0xffff;
	[tilespmem:s23+$0xA080] =	vst v61  }
0x254: {  	v14 =	vld.idx.msk [tilespmem:v6+s9+$0x0], $0xffff;
	[tilespmem:s23+$0xA100] =	vst v22  }
0x255: {  	v11 =	vld.idx.msk [tilespmem:v7+s9+$0x0], $0xffff;
	[tilespmem:s31+$0x7000] =	vst v23  }
0x256: {  	v8 =	vld.idx.msk [tilespmem:v18+s9+$0x0], $0xffff  }
0x257: {  	v0 =	vld [tilespmem:s23+$0x4000]  }
0x258: {  	v1 =	vld [tilespmem:s23+$0x4080]  }
0x259: {  	v4 =	vld [tilespmem:s23+$0x4100]  }
0x25a: {  	[tilespmem:s23+$0xA200] =	vst v24;
	v62 =	vld [tilespmem:s23+$0x4200]  }
0x25b: {  	[tilespmem:s23+$0xA280] =	vst v19;
	v63 =	vld [tilespmem:s23+$0x4280]  }
0x25c: {  	v2 =	vld [tilespmem:s17+$0x0]  }
0x25d: {  	v3 =	vld [tilespmem:s8+$0x0]  }
0x25e: {  	v20 =	vld [tilespmem:s0+$0x0]  }
0x25f: {  	v23 =	vld [tilespmem:s1+$0x0]  }
0x260: {  	v7 =	vld [tilespmem:s7+$0x0]  }
0x261: {  	v6 =	vld.idx.msk [tilespmem:v0+s9+$0x0], $0xffff  }
0x262: {  	v5 =	vld.idx.msk [tilespmem:v1+s9+$0x0], $0xffff  }
0x263: {  	s14 =	sadd.s32 $0x2, s14;
	v4 =	vld.idx.msk [tilespmem:v4+s9+$0x0], $0xffff  }
0x264: {  	p0 =	slt.u32 s14, $0x1E;
	v1 =	vld.idx.msk [tilespmem:v62+s9+$0x0], $0xffff  }
.Ltmp0:
0x265: {  	v19 =	vld.idx.msk [tilespmem:v2+s9+$0x0], $0xffff;
	(pc) =	sbr.rel @p0 .LBB2_2-.Ltmp0, $4  }
0x266: {  	v18 =	vld.idx.msk [tilespmem:v3+s9+$0x0], $0xffff  }
0x267: {  	v3 =	vld.idx.msk [tilespmem:v20+s9+$0x0], $0xffff  }
0x268: {  	v2 =	vld.idx.msk [tilespmem:v63+s9+$0x0], $0xffff  }
0x269: {  	s16 =	sadd.s32 $0x20, s16;
	s15 =	sadd.s32 $0x100, s15;
	[tilespmem:s23+$0xD090] =	vst v21;
	v0 =	vld.idx.msk [tilespmem:v23+s9+$0x0], $0xffff  }
0x26a: {  	_ =	sdelay $0x3  }
0x26b: {  	v7 =	vld.idx.msk [tilespmem:v7+s9+$0x0], $0xffff;
	[tilespmem:s17+$0x7000] =	vst v19  }
0x26c: {  	[tilespmem:s8+$0x7000] =	vst v18  }
0x26d: {  	[tilespmem:s23+$0xB000] =	vst v6  }
0x26e: {  	[tilespmem:s23+$0xB080] =	vst v5  }
0x26f: {  	[tilespmem:s23+$0xB100] =	vst v4  }
0x270: {  	[tilespmem:s0+$0x7000] =	vst v3  }
0x271: {  	[tilespmem:s23+$0xB200] =	vst v1  }
0x272: {  	[tilespmem:s23+$0xB280] =	vst v2  }
0x273: {  	[tilespmem:s1+$0x7000] =	vst v0  }
0x274: {  	v55 =	vld.idx.msk [tilespmem:v17+s9+$0x0], $0xffff;
	[tilespmem:s7+$0x7000] =	vst v7  }
0x275: {  	v56 =	vld [tilespmem:s23+$0x5000]  }
0x276: {  	v57 =	vld [tilespmem:s23+$0x5080]  }
0x277: {  	v3 =	vld [tilespmem:s23+$0x5100]  }
0x278: {  	v58 =	vld [tilespmem:s23+$0x5200]  }
0x279: {  	v59 =	vld [tilespmem:s23+$0x5280]  }
0x27a: {  	v7 =	vld [tilespmem:s20+$0x0]  }
0x27b: {  	v60 =	vld [tilespmem:s25+$0x0]  }
0x27c: {  	v18 =	vld [tilespmem:s23+$0x6000]  }
0x27d: {  	s0 =	rddreg [dreg:$0x4];
	v19 =	vld [tilespmem:s23+$0x6080]  }
0x27e: {  	[tilespmem:s22+$0xC000] =	vst v9;
	v4 =	vld [tilespmem:s0+$0x0]  }
0x27f: {  	[tilespmem:s22+$0xC080] =	vst v10;
	v1 =	vld.idx.msk [tilespmem:v56+s9+$0x0], $0xffff  }
0x280: {  	[tilespmem:s22+$0xC100] =	vst v15;
	v2 =	vld.idx.msk [tilespmem:v57+s9+$0x0], $0xffff  }
0x281: {  	[tilespmem:s6+$0x7000] =	vst v16;
	v3 =	vld.idx.msk [tilespmem:v3+s9+$0x0], $0xffff  }
0x282: {  	[tilespmem:s22+$0xC200] =	vst v12;
	v5 =	vld.idx.msk [tilespmem:v58+s9+$0x0], $0xffff  }
0x283: {  	[tilespmem:s22+$0xC280] =	vst v13;
	v6 =	vld.idx.msk [tilespmem:v59+s9+$0x0], $0xffff  }
0x284: {  	[tilespmem:s26+$0x7000] =	vst v14;
	v7 =	vld.idx.msk [tilespmem:v7+s9+$0x0], $0xffff  }
0x285: {  	[tilespmem:s28+$0x7000] =	vst v11;
	v61 =	vld.idx.msk [tilespmem:v60+s9+$0x0], $0xffff  }
0x286: {  	[tilespmem:s22+$0xD000] =	vst v8;
	v4 =	vld.idx.msk [tilespmem:v4+s9+$0x0], $0xffff  }
0x287: {  	[tilespmem:s22+$0xD080] =	vst v55;
	v62 =	vld.idx.msk [tilespmem:v18+s9+$0x0], $0xffff  }
0x288: {  	v63 =	vld.idx.msk [tilespmem:v19+s9+$0x0], $0xffff;
	[tilespmem:s23+$0xC000] =	vst v1  }
0x289: {  	[tilespmem:s23+$0xC080] =	vst v2  }
0x28a: {  	[tilespmem:s23+$0xC100] =	vst v3  }
0x28b: {  	[tilespmem:s0+$0x7000] =	vst v4  }
0x28c: {  	[tilespmem:s23+$0xC200] =	vst v5  }
0x28d: {  	[tilespmem:s23+$0xC280] =	vst v6  }
0x28e: {  	[tilespmem:s20+$0x7000] =	vst v7  }
0x28f: {  	[tilespmem:s25+$0x7000] =	vst v61  }
0x290: {  	[tilespmem:s23+$0xD000] =	vst v62  }
0x291: {  	s3 =	simm.s32 $0x80;
	[tilespmem:s23+$0xD080] =	vst v63  }
0x292: {  	s4 =	simm.s32 $0x4000;
	s31 =	simm.s32 $0x7000;
	s2 =	rddreg [dreg:$0xb]  }
0x293: {  	[hbm4b:s2+s3] =	stream.strided.scatter [tilespmem:s31], [sflag:$0x2], $0x400, s4, s3, $0x38;
	[tilespmem:$0xEA00] =	vst v63  }
0x294: {  	s5 =	simm.s32 $0x7400;
	s1 =	sadd.s32 $0x10, s2  }
0x295: {  	[hbm4b:s1+s3] =	stream.strided.scatter [tilespmem:s5], [sflag:$0x2], $0x400, s4, s3, $0x38;
	[tilespmem:$0xEA00] =	vst v63  }
0x296: {  	s7 =	simm.s32 $0x7800;
	s6 =	sadd.s32 $0x20, s2  }
0x297: {  	[hbm4b:s6+s3] =	stream.strided.scatter [tilespmem:s7], [sflag:$0x2], $0x400, s4, s3, $0x38;
	[tilespmem:$0xEA00] =	vst v63  }
0x298: {  	s10 =	simm.s32 $0x7C00;
	s8 =	sadd.s32 $0x30, s2  }
0x299: {  	[hbm4b:s8+s3] =	stream.strided.scatter [tilespmem:s10], [sflag:$0x2], $0x400, s4, s3, $0x38;
	[tilespmem:$0xEA00] =	vst v63  }
0x29a: {  	s12 =	simm.s32 $0x8000;
	s11 =	sadd.s32 $0x4000, s2  }
0x29b: {  	[hbm4b:s11+s3] =	stream.strided.scatter [tilespmem:s12], [sflag:$0x2], $0x400, s4, s3, $0x38;
	[tilespmem:$0xEA00] =	vst v63  }
0x29c: {  	s14 =	simm.s32 $0x8400;
	s13 =	sadd.s32 $0x4010, s2  }
0x29d: {  	[hbm4b:s13+s3] =	stream.strided.scatter [tilespmem:s14], [sflag:$0x2], $0x400, s4, s3, $0x38;
	[tilespmem:$0xEA00] =	vst v63  }
0x29e: {  	s16 =	simm.s32 $0x8800;
	s15 =	sadd.s32 $0x4020, s2  }
0x29f: {  	[hbm4b:s15+s3] =	stream.strided.scatter [tilespmem:s16], [sflag:$0x2], $0x400, s4, s3, $0x38;
	[tilespmem:$0xEA00] =	vst v63  }
0x2a0: {  	s18 =	simm.s32 $0x8C00;
	s17 =	sadd.s32 $0x4030, s2  }
0x2a1: {  	[hbm4b:s17+s3] =	stream.strided.scatter [tilespmem:s18], [sflag:$0x2], $0x400, s4, s3, $0x38;
	[tilespmem:$0xEA00] =	vst v63  }
0x2a2: {  	s20 =	simm.s32 $0x9000;
	s19 =	sadd.s32 $0x8000, s2  }
0x2a3: {  	[hbm4b:s19+s3] =	stream.strided.scatter [tilespmem:s20], [sflag:$0x2], $0x400, s4, s3, $0x38;
	[tilespmem:$0xEA00] =	vst v63  }
0x2a4: {  	s22 =	simm.s32 $0x9400;
	s21 =	sadd.s32 $0x8010, s2  }
0x2a5: {  	[hbm4b:s21+s3] =	stream.strided.scatter [tilespmem:s22], [sflag:$0x2], $0x400, s4, s3, $0x38;
	[tilespmem:$0xEA00] =	vst v63  }
0x2a6: {  	s24 =	simm.s32 $0x9800;
	s23 =	sadd.s32 $0x8020, s2  }
0x2a7: {  	[hbm4b:s23+s3] =	stream.strided.scatter [tilespmem:s24], [sflag:$0x2], $0x400, s4, s3, $0x38;
	[tilespmem:$0xEA00] =	vst v63  }
0x2a8: {  	s26 =	simm.s32 $0x9C00;
	s25 =	sadd.s32 $0x8030, s2  }
0x2a9: {  	[hbm4b:s25+s3] =	stream.strided.scatter [tilespmem:s26], [sflag:$0x2], $0x400, s4, s3, $0x38;
	[tilespmem:$0xEA00] =	vst v63  }
0x2aa: {  	s29 =	simm.s32 $0xA000;
	s28 =	sadd.s32 $0xC000, s2  }
0x2ab: {  	[hbm4b:s28+s3] =	stream.strided.scatter [tilespmem:s29], [sflag:$0x2], $0x400, s4, s3, $0x38;
	[tilespmem:$0xEA00] =	vst v63  }
0x2ac: {  	s30 =	sadd.s32 $0xC010, s2;
	s31 =	simm.s32 $0xA400  }
0x2ad: {  	[hbm4b:s30+s3] =	stream.strided.scatter [tilespmem:s31], [sflag:$0x2], $0x400, s4, s3, $0x38;
	[tilespmem:$0xEA00] =	vst v63  }
0x2ae: {  	s1 =	sadd.s32 $0xC020, s2;
	s5 =	simm.s32 $0xA800  }
0x2af: {  	[hbm4b:s1+s3] =	stream.strided.scatter [tilespmem:s5], [sflag:$0x2], $0x400, s4, s3, $0x38;
	[tilespmem:$0xEA00] =	vst v63  }
0x2b0: {  	s6 =	sadd.s32 $0xC030, s2;
	s7 =	simm.s32 $0xAC00  }
0x2b1: {  	[hbm4b:s6+s3] =	stream.strided.scatter [tilespmem:s7], [sflag:$0x2], $0x400, s4, s3, $0x38;
	[tilespmem:$0xEA00] =	vst v63  }
0x2b2: {  	s8 =	sadd.s32 $0x10000, s2;
	s10 =	simm.s32 $0xB000  }
0x2b3: {  	[hbm4b:s8+s3] =	stream.strided.scatter [tilespmem:s10], [sflag:$0x2], $0x400, s4, s3, $0x38;
	[tilespmem:$0xEA00] =	vst v63  }
0x2b4: {  	s11 =	sadd.s32 $0x10, s8;
	s5 =	simm.s32 $0xB400  }
0x2b5: {  	[hbm4b:s11+s3] =	stream.strided.scatter [tilespmem:s5], [sflag:$0x2], $0x400, s4, s3, $0x38;
	[tilespmem:$0xEA00] =	vst v63  }
0x2b6: {  	s12 =	sadd.s32 $0x20, s8;
	s13 =	simm.s32 $0xB800  }
0x2b7: {  	[hbm4b:s12+s3] =	stream.strided.scatter [tilespmem:s13], [sflag:$0x2], $0x400, s4, s3, $0x38;
	[tilespmem:$0xEA00] =	vst v63  }
0x2b8: {  	s0 =	sadd.s32 $0x30, s8;
	s14 =	simm.s32 $0xBC00  }
0x2b9: {  	[hbm4b:s0+s3] =	stream.strided.scatter [tilespmem:s14], [sflag:$0x2], $0x400, s4, s3, $0x38;
	[tilespmem:$0xEA00] =	vst v63  }
0x2ba: {  	s15 =	sadd.s32 $0x14000, s2;
	s16 =	simm.s32 $0xC000  }
0x2bb: {  	[hbm4b:s15+s3] =	stream.strided.scatter [tilespmem:s16], [sflag:$0x2], $0x400, s4, s3, $0x38;
	[tilespmem:$0xEA00] =	vst v63  }
0x2bc: {  	s17 =	sadd.s32 $0x10, s15;
	s18 =	simm.s32 $0xC400  }
0x2bd: {  	[hbm4b:s17+s3] =	stream.strided.scatter [tilespmem:s18], [sflag:$0x2], $0x400, s4, s3, $0x38;
	[tilespmem:$0xEA00] =	vst v63  }
0x2be: {  	s19 =	sadd.s32 $0x20, s15;
	s20 =	simm.s32 $0xC800  }
0x2bf: {  	[hbm4b:s19+s3] =	stream.strided.scatter [tilespmem:s20], [sflag:$0x2], $0x400, s4, s3, $0x38;
	[tilespmem:$0xEA00] =	vst v63  }
0x2c0: {  	s21 =	simm.s32 $0xCC00;
	s0 =	sadd.s32 $0x30, s15  }
0x2c1: {  	[hbm4b:s0+s3] =	stream.strided.scatter [tilespmem:s21], [sflag:$0x2], $0x400, s4, s3, $0x38;
	[tilespmem:$0xEA00] =	vst v63  }
0x2c2: {  	s22 =	sadd.s32 $0x18000, s2;
	s23 =	simm.s32 $0xD000  }
0x2c3: {  	[hbm4b:s22+s3] =	stream.strided.scatter [tilespmem:s23], [sflag:$0x2], $0x100, s4, s3, $0x38;
	[tilespmem:$0xEA00] =	vst v63  }
0x2c4: {  	s24 =	sadd.s32 $0x10, s22;
	s25 =	simm.s32 $0xD400  }
0x2c5: {  	[hbm4b:s24+s3] =	stream.strided.scatter [tilespmem:s25], [sflag:$0x2], $0x100, s4, s3, $0x38;
	[tilespmem:$0xEA00] =	vst v63  }
0x2c6: {  	s26 =	sadd.s32 $0x20, s22;
	s28 =	simm.s32 $0xD800  }
0x2c7: {  	[hbm4b:s26+s3] =	stream.strided.scatter [tilespmem:s28], [sflag:$0x2], $0x100, s4, s3, $0x38;
	[tilespmem:$0xEA00] =	vst v63  }
0x2c8: {  	s29 =	simm.s32 $0xDC00;
	s0 =	sadd.s32 $0x30, s22  }
0x2c9: {  	[hbm4b:s0+s3] =	stream.strided.scatter [tilespmem:s29], [sflag:$0x2], $0x100, s4, s3, $0x38;
	[tilespmem:$0xEA00] =	vst v63  }
0x2ca: {  	s3 =	simm.s32 $0x2  }
0x2cb: {  	_ =	swait.ge [sflag:s3], $0x6400  }
0x2cc: {  	s30 =	rddreg [dreg:$0xd]  }
0x2cd: {  	s31 =	rddreg [dreg:$0xc];
	s1 =	sadd.s32 $0x1, s30  }
0x2ce: {  	p0 =	sne.s32 s1, s31  }
.Ltmp1:
0x2cf: {  	_ = 	snop;
	(pc) =	sbr.rel @p0 .LBB2_1-.Ltmp1, $3  }
0x2d0: {  	_ =	sdelay $0x1  }
0x2d1: {  	[sflag:s3] =	ssyncset.done $0x0  }
0x2d2: {  	[sflag:s3] =	ssyncadd.s32 $0xFFFF9C00  }
0x2d3: {  	_ =	sfence.sel $0x180000  }
0x2d4: {  	[bflag:$0x0] =	sbarrier.arrive $0xFFFF  }
0x2d5: {  	_ =	strace $0x90000047  }
0x2d6: {  	s0 =	stileid.u32;
	[bflag:$0x2] =	sbarrier.arrive $0xFFFF  }
0x2d7: {  	p0 =	sne.s32 s0, $0x0;
	s0 =	rddreg [dreg:$0x3]  }
0x2d8: {  	s0 =	sadd.s32 @!p0 $0x100000, s0  }
0x2d9: {  	[sflag:s0] =	ssyncadd.tile.s32 @!p0 $0x1;
	_ =	shalt  }
.Lfunc_end2:
_tile_overlayer_lowered:
.L_overlay_start_2:
0x2da: {  	(tag) =	ssettag $0x2  }
0x2db: {  	s0 =	rddreg [dreg:$0x0];
	s2 =	stileid.u32  }
0x2dc: {  	s1 =	rddreg [dreg:$0x1];
	p0 =	sne.s32 s2, $0x0  }
0x2dd: {  	s3 =	rddreg [dreg:$0x2];
	[bflag:$0x3] =	sbarrier.arrive $0xFFFF;
	s2 =	simm.s32 @!p0 $0x1C02  }
0x2de: {  	[timem:s3], [sflag:s2] =	dma.local @!p0 [hbm:s0], s1  }
0x2df: {  	s0 =	simm.s32 @!p0 $0x2  }
0x2e0: {  	_ =	swait.ge @!p0 [sflag:s0], s1  }
0x2e1: {  	s1 =	ssub.s32 @!p0 $0x0, s1;
	[sflag:s0] =	ssyncset.done @!p0 $0x0  }
0x2e2: {  	[sflag:s0] =	ssyncadd.s32 @!p0 s1  }
0x2e3: {  	[bflag:$0x3] =	sbarrier.arrive $0xFFFF  }
0x2e4: {  	_ =	shalt  }

</sc_bundles>
